<compile_context>
chip_gen: v7x
topology: tpu7x:2x2x1
jax: 0.10.2.dev20260603
libtpu: 0.0.44.dev20260713+nightly
codegen_flags: <defaults>
</compile_context>

<pallas_src>
import functools

import jax
import jax.numpy as jnp
from jax import lax
from jax.experimental import pallas as pl
from jax.experimental.pallas import tpu as pltpu
from jax.experimental.pallas import tpu_sc as plsc

MAXP = 512
ED = 32
SQ = 2048
SK = 2048
NW = 32
RPW = SQ // NW
GRP = SK * ED // 128
WIN2 = GRP + RPW
GPP = 1024
T4R = 4 * GPP * 4
T4W = T4R // NW
GCH = 128


def _build_body(delta_hbm, table_hbm, t4_hbm, d_v, idx_v, g_v, sem):
    w = lax.axis_index("s") * 2 + lax.axis_index("c")
    p = w // 8
    j0 = (w % 8) * T4W

    pltpu.sync_copy(delta_hbm, d_v)
    dvec = d_v[...]
    lane = lax.iota(jnp.int32, 16)

    def ibody(t, c):
        v = lane + (j0 + t * 16 + p - (SK - 1)) + dvec
        v = jnp.minimum(jnp.maximum(v, -MAXP), MAXP) + MAXP
        idx_v[pl.ds(t * 16, 16)] = v
        return c
    lax.fori_loop(0, T4W // 16, ibody, 0)

    def gbody(c, x):
        pltpu.async_copy(
            table_hbm.at[idx_v.at[pl.ds(c * GCH, GCH)]],
            g_v.at[pl.ds(c * GCH, GCH)], sem)
        return x
    lax.fori_loop(0, T4W // GCH, gbody, 0)

    def gwait(c, x):
        pltpu.make_async_copy(
            table_hbm.at[idx_v.at[pl.ds(0, GCH)]],
            g_v.at[pl.ds(0, GCH)], sem).wait()
        return x
    lax.fori_loop(0, T4W // GCH, gwait, 0)

    pltpu.sync_copy(g_v, t4_hbm.at[pl.ds(w * T4W, T4W)])


def _mat_body(t4g_hbm, out_hbm, win2, sem):
    w = lax.axis_index("s") * 2 + lax.axis_index("c")
    c0 = w % 4
    g = w // 4
    p = 3 - c0
    gs63 = 448 - 64 * g

    pltpu.sync_copy(t4g_hbm.at[pl.ds(p * GPP + gs63, WIN2)], win2)

    base = c0 + 256 * g
    def sbody(r, x):
        pltpu.async_copy(
            win2.at[pl.ds(RPW - 1 - r, GRP)],
            out_hbm.at[base + 4 * r], sem)
        return x
    lax.fori_loop(0, RPW, sbody, 0)

    def swait(r, x):
        pltpu.make_async_copy(
            win2.at[pl.ds(0, GRP)],
            out_hbm.at[base], sem).wait()
        return x
    lax.fori_loop(0, RPW, swait, 0)


def kernel(seq_len_q, seq_len_k, embeddings_table):
    delta = jnp.full((16,), jnp.int32(seq_len_k) - jnp.int32(seq_len_q),
                     dtype=jnp.int32)
    mesh = plsc.VectorSubcoreMesh(core_axis_name="c", subcore_axis_name="s")
    params = pltpu.CompilerParams(use_tc_tiling_on_sc=False)

    build = functools.partial(
        pl.kernel, mesh=mesh,
        out_type=jax.ShapeDtypeStruct((T4R, ED), jnp.float32),
        scratch_types=[
            pltpu.VMEM((16,), jnp.int32),
            pltpu.VMEM((T4W,), jnp.int32),
            pltpu.VMEM((T4W, ED), jnp.float32),
            pltpu.SemaphoreType.DMA,
        ],
        compiler_params=params,
    )(_build_body)
    t4 = build(delta, embeddings_table)

    mat = functools.partial(
        pl.kernel, mesh=mesh,
        out_type=jax.ShapeDtypeStruct((SQ, GRP, 128), jnp.float32),
        scratch_types=[
            pltpu.VMEM((WIN2, 128), jnp.float32),
            pltpu.SemaphoreType.DMA,
        ],
        compiler_params=params,
    )(_mat_body)
    out = mat(t4.reshape(T4R * ED // 128, 128))
    return out.reshape(SQ, SK, ED)

# --- scband reference (transcript-rebuilt; emitter-appended) ---
"""Pipeline reference for scband-relative-positional-encoder-42073499632233 (READ-ONLY COPY).

The authoritative reference and input builder live on the scoring server;
editing this copy changes nothing except your own understanding.
"""

import jax, jax.numpy as jnp
import numpy as np

MAX_POSITION = 512
EMB_DIM = 32

SEQ_LEN_Q = 2048
SEQ_LEN_K = 2048


def setup_inputs(seed: int = 0) -> dict:
    key = jax.random.key(seed)
    num_rows = MAX_POSITION * 2 + 1
    # xavier_uniform init: bound = sqrt(6 / (fan_in + fan_out))
    bound = float(np.sqrt(6.0 / (num_rows + EMB_DIM)))
    embeddings_table = jax.random.uniform(
        key, (num_rows, EMB_DIM), dtype=jnp.float32, minval=-bound, maxval=bound
    )
    return {
        "seq_len_q": 2048,
        "seq_len_k": 2048,
        "embeddings_table": embeddings_table,
    }


def reference(seq_len_q, seq_len_k, embeddings_table):
    range_vec_q = jnp.arange(SEQ_LEN_Q) + (seq_len_q - SEQ_LEN_Q)
    range_vec_k = jnp.arange(SEQ_LEN_K) + (seq_len_k - SEQ_LEN_K)
    relative_matrix = range_vec_k[None, :] - range_vec_q[:, None]
    clipped_relative_matrix = jnp.clip(relative_matrix, -MAX_POSITION, MAX_POSITION)
    relative_position_matrix = clipped_relative_matrix + MAX_POSITION
    embeddings = jnp.take(embeddings_table, relative_position_matrix, axis=0)
    return embeddings

if __name__ == "__main__":
    import jax
    _d = setup_inputs()
    print(jax.jit(kernel)(*tuple(_d.values())))

</pallas_src>

<mosaic_0001>
#map = affine_map<(d0, d1) -> (0)>
#map1 = affine_map<(d0, d1) -> (0, 0)>
module attributes {stable_mosaic.version = 14 : i64} {
  func.func @_build_body(%arg0: i32, %arg1: i32, %arg2: memref<16xi32, #tpu.memory_space<hbm>>, %arg3: memref<1025x32xf32, #tpu.memory_space<hbm>>, %arg4: memref<16384x32xf32, #tpu.memory_space<hbm>>, %arg5: memref<16xi32, #tpu.memory_space<vmem>>, %arg6: memref<512xi32, #tpu.memory_space<vmem>>, %arg7: memref<512x32xf32, #tpu.memory_space<vmem>>, %arg8: memref<!tpu.dma_semaphore, #tpu.memory_space<semaphore_mem>>) attributes {dimension_semantics = [#tpu.dimension_semantics<core_parallel>, #tpu.dimension_semantics<subcore_parallel>], iteration_bounds = array<i64: 2, 16>, scalar_prefetch = 0 : i64, scratch_operands = 4 : i64, tpu.core_type = #tpu.core_type<sc_vector_subcore>, window_params = [{transform_indices = #map}, {transform_indices = #map1}, {transform_indices = #map1}]} {
    %mul3A = arith.constant 2 : i32
    %mul3A_0 = arith.muli %arg1, %mul3A : i32
    %add3A = arith.addi %mul3A_0, %arg0 : i32
    %jit3A = arith.constant 8 : i32
    %div3A = arith.divsi %add3A, %jit3A : i32
    %sign3A = arith.constant 0 : i32
    %sign3A_1 = arith.cmpi sgt, %add3A, %sign3A : i32
    %sign3A_2 = arith.extui %sign3A_1 : i1 to i32
    %sign3A_3 = arith.constant 0 : i32
    %sign3A_4 = arith.cmpi slt, %add3A, %sign3A_3 : i32
    %sign3A_5 = arith.extui %sign3A_4 : i1 to i32
    %sign3A_6 = arith.subi %sign3A_2, %sign3A_5 : i32
    %sign3A_7 = arith.constant 0 : i32
    %sign3A_8 = arith.cmpi sgt, %jit3A, %sign3A_7 : i32
    %sign3A_9 = arith.extui %sign3A_8 : i1 to i32
    %sign3A_10 = arith.constant 0 : i32
    %sign3A_11 = arith.cmpi slt, %jit3A, %sign3A_10 : i32
    %sign3A_12 = arith.extui %sign3A_11 : i1 to i32
    %sign3A_13 = arith.subi %sign3A_9, %sign3A_12 : i32
    %ne3A = arith.cmpi ne, %sign3A_6, %sign3A_13 : i32
    %rem3A = arith.remsi %add3A, %jit3A : i32
    %ne3A_14 = arith.constant 0 : i32
    %ne3A_15 = arith.cmpi ne, %rem3A, %ne3A_14 : i32
    %and3A = arith.andi %ne3A, %ne3A_15 : i1
    %sub3A = arith.constant 1 : i32
    %sub3A_16 = arith.subi %div3A, %sub3A : i32
    %select_n3A = arith.select %and3A, %sub3A_16, %div3A : i32
    %jit3A_17 = arith.constant 8 : i32
    %eq3A = arith.constant 0 : i32
    %eq3A_18 = arith.cmpi eq, %jit3A_17, %eq3A : i32
    %jit3A_19 = arith.constant 1 : i32
    %select_n3A_20 = arith.select %eq3A_18, %jit3A_19, %jit3A_17 : i32
    %rem3A_21 = arith.remsi %add3A, %select_n3A_20 : i32
    %ne3A_22 = arith.constant 0 : i32
    %ne3A_23 = arith.cmpi ne, %rem3A_21, %ne3A_22 : i32
    %lt3A = arith.constant 0 : i32
    %lt3A_24 = arith.cmpi slt, %rem3A_21, %lt3A : i32
    %lt3A_25 = arith.constant 0 : i32
    %lt3A_26 = arith.cmpi slt, %select_n3A_20, %lt3A_25 : i32
    %ne3A_27 = arith.xori %lt3A_24, %lt3A_26 : i1
    %and3A_28 = arith.andi %ne3A_27, %ne3A_23 : i1
    %add3A_29 = arith.addi %rem3A_21, %select_n3A_20 : i32
    %select_n3A_30 = arith.select %and3A_28, %add3A_29, %rem3A_21 : i32
    %mul3A_31 = arith.constant 512 : i32
    %mul3A_32 = arith.muli %select_n3A_30, %mul3A_31 : i32
    "tpu.region"() ({
      %run_scoped3A = tpu.sem_alloc : memref<!tpu.dma_semaphore, #tpu.memory_space<semaphore_mem>>
      tpu.enqueue_dma source(%arg2 : memref<16xi32, #tpu.memory_space<hbm>>) target(%arg5 : memref<16xi32, #tpu.memory_space<vmem>>) target_semaphore(%run_scoped3A : memref<!tpu.dma_semaphore, #tpu.memory_space<semaphore_mem>>)
      tpu.wait_dma2 semaphore(%run_scoped3A : memref<!tpu.dma_semaphore, #tpu.memory_space<semaphore_mem>>) src(%arg2 : memref<16xi32, #tpu.memory_space<hbm>>) dst(%arg5 : memref<16xi32, #tpu.memory_space<vmem>>)
      tpu.yield
    }) : () -> ()
    %get3A = arith.constant 0 : index
    %get3A_33 = tpu.vector_load %arg5[%get3A] {strides = array<i32>} : memref<16xi32, #tpu.memory_space<vmem>>, vector<16xi32>,
    %get3A_34 = vector.shape_cast %get3A_33 : vector<16xi32> to vector<16xi32>
    %iota3A = tpu.iota {dimensions = array<i32: 0>} : vector<16xi32>
    %scan3A = arith.constant 0 : i32
    %scan3A_35 = arith.constant 0 : i32
    %scan3A_36 = arith.constant 32 : i32
    %scan3A_37 = arith.addi %scan3A_35, %scan3A_36 : i32
    %scan3A_38 = arith.constant 1 : i32
    scf.for %scan3A_54 = %scan3A_35 to %scan3A_37 step %scan3A_38  : i32 {
      %mul3A_55 = arith.constant 16 : i32
      %mul3A_56 = arith.muli %scan3A_54, %mul3A_55 : i32
      %add3A_57 = arith.addi %mul3A_32, %mul3A_56 : i32
      %add3A_58 = arith.addi %add3A_57, %select_n3A : i32
      %sub3A_59 = arith.constant 2047 : i32
      %sub3A_60 = arith.subi %add3A_58, %sub3A_59 : i32
      %add3A_61 = vector.broadcast %sub3A_60 : i32 to vector<16xi32>
      %add3A_62 = arith.addi %iota3A, %add3A_61 : vector<16xi32>
      %add3A_63 = arith.addi %add3A_62, %get3A_34 : vector<16xi32>
      %max3A = arith.constant -512 : i32
      %max3A_64 = vector.broadcast %max3A : i32 to vector<16xi32>
      %max3A_65 = arith.maxsi %add3A_63, %max3A_64 : vector<16xi32>
      %min3A = arith.constant 512 : i32
      %min3A_66 = vector.broadcast %min3A : i32 to vector<16xi32>
      %min3A_67 = arith.minsi %max3A_65, %min3A_66 : vector<16xi32>
      %add3A_68 = arith.constant 512 : i32
      %add3A_69 = vector.broadcast %add3A_68 : i32 to vector<16xi32>
      %add3A_70 = arith.addi %min3A_67, %add3A_69 : vector<16xi32>
      %mul3A_71 = arith.constant 16 : i32
      %mul3A_72 = arith.muli %scan3A_54, %mul3A_71 : i32
      %swap3A = arith.index_cast %mul3A_72 : i32 to index
      %swap3A_73 = tpu.vector_load %arg6[%swap3A] {strides = array<i32>} : memref<512xi32, #tpu.memory_space<vmem>>, vector<16xi32>,
      %swap3A_74 = vector.shape_cast %swap3A_73 : vector<16xi32> to vector<16xi32>
      %swap3A_75 = vector.shape_cast %add3A_70 : vector<16xi32> to vector<16xi32>
      tpu.vector_store %arg6[%swap3A], %swap3A_75 {strides = array<i32>} : memref<512xi32, #tpu.memory_space<vmem>>, vector<16xi32>,
    }
    %scan3A_39 = arith.constant 32 : i32
    %scan3A_40 = arith.constant 0 : i32
    %scan3A_41 = arith.constant 0 : i32
    %scan3A_42 = arith.constant 4 : i32
    %scan3A_43 = arith.addi %scan3A_41, %scan3A_42 : i32
    %scan3A_44 = arith.constant 1 : i32
    scf.for %scan3A_54 = %scan3A_41 to %scan3A_43 step %scan3A_44  : i32 {
      %mul3A_55 = arith.constant 128 : i32
      %mul3A_56 = arith.muli %scan3A_54, %mul3A_55 : i32
      %mul3A_57 = arith.constant 128 : i32
      %mul3A_58 = arith.muli %scan3A_54, %mul3A_57 : i32
      %dma_start3A = arith.constant 0 : i32
      %dma_start3A_59 = tpu.memref_slice %arg7[%mul3A_58, %dma_start3A] : memref<512x32xf32, #tpu.memory_space<vmem>> -> memref<128x32xf32, #tpu.memory_space<vmem>>
      %dma_start3A_60 = tpu.memref_slice %arg6[%mul3A_56] : memref<512xi32, #tpu.memory_space<vmem>> -> memref<128xi32, #tpu.memory_space<vmem>>
      %dma_start3A_61 = arith.constant 0 : i32
      %dma_start3A_62 = arith.constant 0 : i32
      %dma_start3A_63 = tpu.memref_slice %arg3[%dma_start3A_61, %dma_start3A_62] : memref<1025x32xf32, #tpu.memory_space<hbm>> -> memref<1025x32xf32, #tpu.memory_space<hbm>>
      tpu.enqueue_indirect_dma source(%dma_start3A_63 : memref<1025x32xf32, #tpu.memory_space<hbm>>) target(%dma_start3A_59 : memref<128x32xf32, #tpu.memory_space<vmem>>) offsets(%dma_start3A_60 : memref<128xi32, #tpu.memory_space<vmem>>) semaphore(%arg8 : memref<!tpu.dma_semaphore, #tpu.memory_space<semaphore_mem>>)
    }
    %scan3A_45 = arith.constant 4 : i32
    %scan3A_46 = arith.constant 0 : i32
    %scan3A_47 = arith.constant 0 : i32
    %scan3A_48 = arith.constant 4 : i32
    %scan3A_49 = arith.addi %scan3A_47, %scan3A_48 : i32
    %scan3A_50 = arith.constant 1 : i32
    scf.for %scan3A_54 = %scan3A_47 to %scan3A_49 step %scan3A_50  : i32 {
      %dma_wait3A = arith.constant 0 : i32
      %dma_wait3A_55 = arith.constant 0 : i32
      %dma_wait3A_56 = tpu.memref_slice %arg7[%dma_wait3A, %dma_wait3A_55] : memref<512x32xf32, #tpu.memory_space<vmem>> -> memref<128x32xf32, #tpu.memory_space<vmem>>
      %dma_wait3A_57 = arith.constant 0 : i32
      %dma_wait3A_58 = tpu.memref_slice %arg6[%dma_wait3A_57] : memref<512xi32, #tpu.memory_space<vmem>> -> memref<128xi32, #tpu.memory_space<vmem>>
      %dma_wait3A_59 = arith.constant 0 : i32
      %dma_wait3A_60 = arith.constant 0 : i32
      %dma_wait3A_61 = tpu.memref_slice %arg3[%dma_wait3A_59, %dma_wait3A_60] : memref<1025x32xf32, #tpu.memory_space<hbm>> -> memref<1025x32xf32, #tpu.memory_space<hbm>>
      tpu.wait_indirect_dma semaphore(%arg8 : memref<!tpu.dma_semaphore, #tpu.memory_space<semaphore_mem>>) src(%dma_wait3A_61 : memref<1025x32xf32, #tpu.memory_space<hbm>>) dst(%dma_wait3A_56 : memref<128x32xf32, #tpu.memory_space<vmem>>)
    }
    %scan3A_51 = arith.constant 4 : i32
    %mul3A_52 = arith.constant 512 : i32
    %mul3A_53 = arith.muli %add3A, %mul3A_52 : i32
    "tpu.region"() ({
      %run_scoped3A = tpu.sem_alloc : memref<!tpu.dma_semaphore, #tpu.memory_space<semaphore_mem>>
      %dma_start3A = arith.constant 0 : i32
      %dma_start3A_54 = tpu.memref_slice %arg4[%mul3A_53, %dma_start3A] : memref<16384x32xf32, #tpu.memory_space<hbm>> -> memref<512x32xf32, #tpu.memory_space<hbm>>
      %dma_start3A_55 = arith.constant 0 : i32
      %dma_start3A_56 = tpu.memref_slice %arg4[%mul3A_53, %dma_start3A_55] : memref<16384x32xf32, #tpu.memory_space<hbm>> -> memref<512x32xf32, #tpu.memory_space<hbm>>
      tpu.enqueue_dma source(%arg7 : memref<512x32xf32, #tpu.memory_space<vmem>>) target(%dma_start3A_56 : memref<512x32xf32, #tpu.memory_space<hbm>>) target_semaphore(%run_scoped3A : memref<!tpu.dma_semaphore, #tpu.memory_space<semaphore_mem>>)
      %dma_wait3A = arith.constant 0 : i32
      %dma_wait3A_57 = tpu.memref_slice %arg4[%mul3A_53, %dma_wait3A] : memref<16384x32xf32, #tpu.memory_space<hbm>> -> memref<512x32xf32, #tpu.memory_space<hbm>>
      %dma_wait3A_58 = arith.constant 0 : i32
      %dma_wait3A_59 = tpu.memref_slice %arg4[%mul3A_53, %dma_wait3A_58] : memref<16384x32xf32, #tpu.memory_space<hbm>> -> memref<512x32xf32, #tpu.memory_space<hbm>>
      tpu.wait_dma2 semaphore(%run_scoped3A : memref<!tpu.dma_semaphore, #tpu.memory_space<semaphore_mem>>) src(%arg7 : memref<512x32xf32, #tpu.memory_space<vmem>>) dst(%dma_wait3A_59 : memref<512x32xf32, #tpu.memory_space<hbm>>)
      tpu.yield
    }) : () -> ()
    return
  }
}

#map = affine_map<(d0, d1) -> (0, 0)>
#map1 = affine_map<(d0, d1) -> (0, 0, 0)>
module attributes {stable_mosaic.version = 14 : i64} {
  func.func @_mat_body(%arg0: i32, %arg1: i32, %arg2: memref<4096x128xf32, #tpu.memory_space<hbm>>, %arg3: memref<2048x512x128xf32, #tpu.memory_space<hbm>>, %arg4: memref<576x128xf32, #tpu.memory_space<vmem>>, %arg5: memref<!tpu.dma_semaphore, #tpu.memory_space<semaphore_mem>>) attributes {dimension_semantics = [#tpu.dimension_semantics<core_parallel>, #tpu.dimension_semantics<subcore_parallel>], iteration_bounds = array<i64: 2, 16>, scalar_prefetch = 0 : i64, scratch_operands = 2 : i64, tpu.core_type = #tpu.core_type<sc_vector_subcore>, window_params = [{transform_indices = #map}, {transform_indices = #map1}]} {
    %mul3A = arith.constant 2 : i32
    %mul3A_0 = arith.muli %arg1, %mul3A : i32
    %add3A = arith.addi %mul3A_0, %arg0 : i32
    %jit3A = arith.constant 4 : i32
    %eq3A = arith.constant 0 : i32
    %eq3A_1 = arith.cmpi eq, %jit3A, %eq3A : i32
    %jit3A_2 = arith.constant 1 : i32
    %select_n3A = arith.select %eq3A_1, %jit3A_2, %jit3A : i32
    %rem3A = arith.remsi %add3A, %select_n3A : i32
    %ne3A = arith.constant 0 : i32
    %ne3A_3 = arith.cmpi ne, %rem3A, %ne3A : i32
    %lt3A = arith.constant 0 : i32
    %lt3A_4 = arith.cmpi slt, %rem3A, %lt3A : i32
    %lt3A_5 = arith.constant 0 : i32
    %lt3A_6 = arith.cmpi slt, %select_n3A, %lt3A_5 : i32
    %ne3A_7 = arith.xori %lt3A_4, %lt3A_6 : i1
    %and3A = arith.andi %ne3A_7, %ne3A_3 : i1
    %add3A_8 = arith.addi %rem3A, %select_n3A : i32
    %select_n3A_9 = arith.select %and3A, %add3A_8, %rem3A : i32
    %jit3A_10 = arith.constant 4 : i32
    %div3A = arith.divsi %add3A, %jit3A_10 : i32
    %sign3A = arith.constant 0 : i32
    %sign3A_11 = arith.cmpi sgt, %add3A, %sign3A : i32
    %sign3A_12 = arith.extui %sign3A_11 : i1 to i32
    %sign3A_13 = arith.constant 0 : i32
    %sign3A_14 = arith.cmpi slt, %add3A, %sign3A_13 : i32
    %sign3A_15 = arith.extui %sign3A_14 : i1 to i32
    %sign3A_16 = arith.subi %sign3A_12, %sign3A_15 : i32
    %sign3A_17 = arith.constant 0 : i32
    %sign3A_18 = arith.cmpi sgt, %jit3A_10, %sign3A_17 : i32
    %sign3A_19 = arith.extui %sign3A_18 : i1 to i32
    %sign3A_20 = arith.constant 0 : i32
    %sign3A_21 = arith.cmpi slt, %jit3A_10, %sign3A_20 : i32
    %sign3A_22 = arith.extui %sign3A_21 : i1 to i32
    %sign3A_23 = arith.subi %sign3A_19, %sign3A_22 : i32
    %ne3A_24 = arith.cmpi ne, %sign3A_16, %sign3A_23 : i32
    %rem3A_25 = arith.remsi %add3A, %jit3A_10 : i32
    %ne3A_26 = arith.constant 0 : i32
    %ne3A_27 = arith.cmpi ne, %rem3A_25, %ne3A_26 : i32
    %and3A_28 = arith.andi %ne3A_24, %ne3A_27 : i1
    %sub3A = arith.constant 1 : i32
    %sub3A_29 = arith.subi %div3A, %sub3A : i32
    %select_n3A_30 = arith.select %and3A_28, %sub3A_29, %div3A : i32
    %sub3A_31 = arith.constant 3 : i32
    %sub3A_32 = arith.subi %sub3A_31, %select_n3A_9 : i32
    %mul3A_33 = arith.constant 64 : i32
    %mul3A_34 = arith.muli %mul3A_33, %select_n3A_30 : i32
    %sub3A_35 = arith.constant 448 : i32
    %sub3A_36 = arith.subi %sub3A_35, %mul3A_34 : i32
    %mul3A_37 = arith.constant 1024 : i32
    %mul3A_38 = arith.muli %sub3A_32, %mul3A_37 : i32
    %add3A_39 = arith.addi %mul3A_38, %sub3A_36 : i32
    "tpu.region"() ({
      %run_scoped3A = tpu.sem_alloc : memref<!tpu.dma_semaphore, #tpu.memory_space<semaphore_mem>>
      %dma_start3A = arith.constant 0 : i32
      %dma_start3A_54 = tpu.memref_slice %arg2[%add3A_39, %dma_start3A] : memref<4096x128xf32, #tpu.memory_space<hbm>> -> memref<576x128xf32, #tpu.memory_space<hbm>>
      %dma_start3A_55 = arith.constant 0 : i32
      %dma_start3A_56 = tpu.memref_slice %arg2[%add3A_39, %dma_start3A_55] : memref<4096x128xf32, #tpu.memory_space<hbm>> -> memref<576x128xf32, #tpu.memory_space<hbm>>
      tpu.enqueue_dma source(%dma_start3A_56 : memref<576x128xf32, #tpu.memory_space<hbm>>) target(%arg4 : memref<576x128xf32, #tpu.memory_space<vmem>>) target_semaphore(%run_scoped3A : memref<!tpu.dma_semaphore, #tpu.memory_space<semaphore_mem>>)
      %dma_wait3A = arith.constant 0 : i32
      %dma_wait3A_57 = tpu.memref_slice %arg2[%add3A_39, %dma_wait3A] : memref<4096x128xf32, #tpu.memory_space<hbm>> -> memref<576x128xf32, #tpu.memory_space<hbm>>
      %dma_wait3A_58 = arith.constant 0 : i32
      %dma_wait3A_59 = tpu.memref_slice %arg2[%add3A_39, %dma_wait3A_58] : memref<4096x128xf32, #tpu.memory_space<hbm>> -> memref<576x128xf32, #tpu.memory_space<hbm>>
      tpu.wait_dma2 semaphore(%run_scoped3A : memref<!tpu.dma_semaphore, #tpu.memory_space<semaphore_mem>>) src(%dma_wait3A_59 : memref<576x128xf32, #tpu.memory_space<hbm>>) dst(%arg4 : memref<576x128xf32, #tpu.memory_space<vmem>>)
      tpu.yield
    }) : () -> ()
    %mul3A_40 = arith.constant 256 : i32
    %mul3A_41 = arith.muli %mul3A_40, %select_n3A_30 : i32
    %add3A_42 = arith.addi %select_n3A_9, %mul3A_41 : i32
    %scan3A = arith.constant 0 : i32
    %scan3A_43 = arith.constant 0 : i32
    %scan3A_44 = arith.constant 64 : i32
    %scan3A_45 = arith.addi %scan3A_43, %scan3A_44 : i32
    %scan3A_46 = arith.constant 1 : i32
    scf.for %scan3A_54 = %scan3A_43 to %scan3A_45 step %scan3A_46  : i32 {
      %sub3A_55 = arith.constant 63 : i32
      %sub3A_56 = arith.subi %sub3A_55, %scan3A_54 : i32
      %mul3A_57 = arith.constant 4 : i32
      %mul3A_58 = arith.muli %mul3A_57, %scan3A_54 : i32
      %add3A_59 = arith.addi %add3A_42, %mul3A_58 : i32
      %dma_start3A = arith.constant 0 : i32
      %dma_start3A_60 = tpu.memref_slice %arg4[%sub3A_56, %dma_start3A] : memref<576x128xf32, #tpu.memory_space<vmem>> -> memref<512x128xf32, #tpu.memory_space<vmem>>
      %dma_start3A_61 = arith.constant 0 : i32
      %dma_start3A_62 = arith.constant 0 : i32
      %dma_start3A_63 = tpu.memref_slice %arg3[%add3A_59, %dma_start3A_61, %dma_start3A_62] : memref<2048x512x128xf32, #tpu.memory_space<hbm>> -> memref<1x512x128xf32, #tpu.memory_space<hbm>>
      %dma_start3A_64 = tpu.memref_squeeze %dma_start3A_63 : memref<1x512x128xf32, #tpu.memory_space<hbm>> -> memref<512x128xf32, #tpu.memory_space<hbm>>
      %dma_start3A_65 = arith.constant 0 : i32
      %dma_start3A_66 = arith.constant 0 : i32
      %dma_start3A_67 = tpu.memref_slice %arg3[%add3A_59, %dma_start3A_65, %dma_start3A_66] : memref<2048x512x128xf32, #tpu.memory_space<hbm>> -> memref<1x512x128xf32, #tpu.memory_space<hbm>>
      %dma_start3A_68 = tpu.memref_squeeze %dma_start3A_67 : memref<1x512x128xf32, #tpu.memory_space<hbm>> -> memref<512x128xf32, #tpu.memory_space<hbm>>
      %dma_start3A_69 = arith.constant 0 : i32
      %dma_start3A_70 = tpu.memref_slice %arg4[%sub3A_56, %dma_start3A_69] : memref<576x128xf32, #tpu.memory_space<vmem>> -> memref<512x128xf32, #tpu.memory_space<vmem>>
      tpu.enqueue_dma source(%dma_start3A_70 : memref<512x128xf32, #tpu.memory_space<vmem>>) target(%dma_start3A_68 : memref<512x128xf32, #tpu.memory_space<hbm>>) target_semaphore(%arg5 : memref<!tpu.dma_semaphore, #tpu.memory_space<semaphore_mem>>)
    }
    %scan3A_47 = arith.constant 64 : i32
    %scan3A_48 = arith.constant 0 : i32
    %scan3A_49 = arith.constant 0 : i32
    %scan3A_50 = arith.constant 64 : i32
    %scan3A_51 = arith.addi %scan3A_49, %scan3A_50 : i32
    %scan3A_52 = arith.constant 1 : i32
    scf.for %scan3A_54 = %scan3A_49 to %scan3A_51 step %scan3A_52  : i32 {
      %dma_wait3A = arith.constant 0 : i32
      %dma_wait3A_55 = arith.constant 0 : i32
      %dma_wait3A_56 = tpu.memref_slice %arg4[%dma_wait3A, %dma_wait3A_55] : memref<576x128xf32, #tpu.memory_space<vmem>> -> memref<512x128xf32, #tpu.memory_space<vmem>>
      %dma_wait3A_57 = arith.constant 0 : i32
      %dma_wait3A_58 = arith.constant 0 : i32
      %dma_wait3A_59 = tpu.memref_slice %arg3[%add3A_42, %dma_wait3A_57, %dma_wait3A_58] : memref<2048x512x128xf32, #tpu.memory_space<hbm>> -> memref<1x512x128xf32, #tpu.memory_space<hbm>>
      %dma_wait3A_60 = tpu.memref_squeeze %dma_wait3A_59 : memref<1x512x128xf32, #tpu.memory_space<hbm>> -> memref<512x128xf32, #tpu.memory_space<hbm>>
      %dma_wait3A_61 = arith.constant 0 : i32
      %dma_wait3A_62 = arith.constant 0 : i32
      %dma_wait3A_63 = tpu.memref_slice %arg3[%add3A_42, %dma_wait3A_61, %dma_wait3A_62] : memref<2048x512x128xf32, #tpu.memory_space<hbm>> -> memref<1x512x128xf32, #tpu.memory_space<hbm>>
      %dma_wait3A_64 = tpu.memref_squeeze %dma_wait3A_63 : memref<1x512x128xf32, #tpu.memory_space<hbm>> -> memref<512x128xf32, #tpu.memory_space<hbm>>
      %dma_wait3A_65 = arith.constant 0 : i32
      %dma_wait3A_66 = arith.constant 0 : i32
      %dma_wait3A_67 = tpu.memref_slice %arg4[%dma_wait3A_65, %dma_wait3A_66] : memref<576x128xf32, #tpu.memory_space<vmem>> -> memref<512x128xf32, #tpu.memory_space<vmem>>
      tpu.wait_dma2 semaphore(%arg5 : memref<!tpu.dma_semaphore, #tpu.memory_space<semaphore_mem>>) src(%dma_wait3A_67 : memref<512x128xf32, #tpu.memory_space<vmem>>) dst(%dma_wait3A_64 : memref<512x128xf32, #tpu.memory_space<hbm>>)
    }
    %scan3A_53 = arith.constant 64 : i32
    return
  }
}

</mosaic_0001>

<sc_bundles>
// kernel: kernel.4.cloned.1.call-start
scs
__scs_entry_jumppad:
0x0: {  	(pc) =	sbr.rel $0x88, $3  }
0x1: {  	(tag) =	ssettag $0x0;
	lr =	simm.s32 $0x1  }
0x2: {  	[smem:$0x3F9E] =	sst lr;
	_ =	strace $0xD0000000  }
0x3: {  	_ = 	snop  }
0x4: {  	_ = 	snop  }
0x5: {  	_ = 	snop  }
0x6: {  	_ = 	snop  }
0x7: {  	_ = 	snop  }
__scs_overlays_trampoline_lowered:
0x8: {  	[smem:$0x3FAD] =	sst s0  }
0x9: {  	[smem:$0x3FAE] =	sst s1  }
0xa: {  	[smem:$0x3FAF] =	sst s2  }
0xb: {  	[smem:$0x3FB0] =	sst s3  }
0xc: {  	[smem:$0x3FB1] =	sst s4  }
0xd: {  	[smem:$0x3FB2] =	sst s5  }
0xe: {  	[smem:$0x3FB3] =	sst s6  }
0xf: {  	[smem:$0x3FB4] =	sst s7  }
0x10: {  	[smem:$0x3FB5] =	sst s8  }
0x11: {  	[smem:$0x3FB6] =	sst s9;
	s0 =	simm.s32 @!p0 $0x0  }
0x12: {  	s1 =	sld [smem:$0x3F9C];
	s0 =	simm.s32 @p0 $0x1  }
0x13: {  	[smem:$0x3FB7] =	sst s0;
	s0 =	simm.s32 @!p1 $0x0  }
0x14: {  	s2 =	sld [smem:$0x3F9B];
	s0 =	simm.s32 @p1 $0x1  }
0x15: {  	[smem:$0x3FB8] =	sst s0;
	s0 =	simm.s32 @!p2 $0x0  }
0x16: {  	s3 =	sld [smem:$0x3FDB];
	s0 =	simm.s32 @p2 $0x1  }
0x17: {  	s4 =	simm.s32 $0x1BF5;
	[smem:$0x3FBA] =	sst s0  }
0x18: {  	s0 =	sld [smem:$0x3F9D];
	_ =	swait.ge [sflag:s4], $0x0  }
0x19: {  	s7 =	sld [smem:$0x3F9E]  }
0x1a: {  	s8 =	sadd.s32 $0xFFFFE003, lr  }
0x1b: {  	s9 =	sadd.s32 $0xFFFFFEF7, lr;
	s5 =	simm.s32 $0xFFFFFFFF;
	p2 =	slt.u32 s8, $0xFFFFF086  }
0x1c: {  	p1 =	slt.u32 s9, $0xF7A;
	s5 =	simm.s32 @!p2 $0x0  }
0x1d: {  	s5 =	simm.s32 @p1 $0x1;
	p0 =	seq.s32 s7, s2  }
0x1e: {  	s7 =	smul.u32 @!p0 $0xF7A, s2;
	p2 =	seq.s32 @!p0 s5, $0x0  }
0x1f: {  	s9 =	smul.u32 $0xF7A, s1;
	s8 =	simm.s32 @!p0 $0x1BF5;
	p2 =	por !p2, p0  }
0x20: {  	[sflag:s8] =	ssyncset.s32 @!p0 $0xFFFFF086;
	s6 =	sadd.s32 @!p0 s3, s7;
	s7 =	simm.s32 @!p0 $0x108  }
0x21: {  	s3 =	sadd.s32 s3, s9;
	s6 =	sadd.s32 @!p0 $0x88, s6;
	s7 =	simm.s32 @p2 $0x1082  }
0x22: {  	[simem:s7], [sflag:s8] =	dma.local @!p0 [hbm:s6], $0xF7A  }
0x23: {  	s9 =	sor.u32 $0xD0000000, s2;
	s6 =	simm.s32 $0x108;
	_ =	swait.ge @!p0 [sflag:s8], $0x0  }
0x24: {  	s3 =	sadd.s32 $0x88, s3;
	s6 =	simm.s32 @!p1 $0x1082;
	[sflag:s4] =	ssyncset.s32 $0xFFFFF086  }
0x25: {  	[simem:s6], [sflag:s4] =	dma.local [hbm:s3], $0xF7A  }
0x26: {  	[smem:$0x3F9E] =	sst s1;
	(tag) =	ssettag s2;
	_ =	strace s9  }
0x27: {  	s1 =	sld [smem:$0x3FAE]  }
0x28: {  	s2 =	sld [smem:$0x3FAF]  }
0x29: {  	s4 =	sld [smem:$0x3FB1]  }
0x2a: {  	p0 =	seq.s32 s5, $0x0;
	s5 =	sld [smem:$0x3FB2]  }
0x2b: {  	s6 =	sld [smem:$0x3FB3]  }
0x2c: {  	s7 =	sld [smem:$0x3FB4]  }
0x2d: {  	s3 =	simm.s32 $0x108;
	s8 =	sld [smem:$0x3FB5]  }
0x2e: {  	s3 =	simm.s32 @!p0 $0x1082;
	s9 =	sld [smem:$0x3FB6]  }
0x2f: {  	lr =	sadd.s32 s0, s3;
	s0 =	sld [smem:$0x3FAD]  }
0x30: {  	s3 =	sld [smem:$0x3FB0]  }
0x31: {  	[smem:$0x3FB9] =	sst s10  }
0x32: {  	s10 =	sld [smem:$0x3FB7];
	_ =	sdelay $0x3  }
0x33: {  	p0 =	seq.s32 s10, $0x1;
	s10 =	sld [smem:$0x3FB9];
	_ =	sdelay $0x3  }
0x34: {  	[smem:$0x3FB9] =	sst s10  }
0x35: {  	s10 =	sld [smem:$0x3FB8];
	_ =	sdelay $0x3  }
0x36: {  	p1 =	seq.s32 s10, $0x1;
	s10 =	sld [smem:$0x3FB9];
	_ =	sdelay $0x3  }
0x37: {  	[smem:$0x3FB9] =	sst s10  }
0x38: {  	s10 =	sld [smem:$0x3FBA]  }
0x39: {  	_ = 	snop;
	(pc) =	sbr.ind lr, $3  }
0x3a: {  	_ = 	snop  }
0x3b: {  	_ = 	snop  }
0x3c: {  	p2 =	seq.s32 s10, $0x1;
	s10 =	sld [smem:$0x3FB9]  }
0x3d: {  	_ =	shalt  }
0x3e: {  	_ =	shalt  }
0x3f: {  	_ =	shalt  }
0x40: {  	_ =	shalt  }
0x41: {  	_ =	shalt  }
0x42: {  	_ =	shalt  }
0x43: {  	_ =	shalt  }
0x44: {  	_ =	shalt  }
0x45: {  	_ =	shalt  }
0x46: {  	_ =	shalt  }
0x47: {  	_ =	shalt  }
0x48: {  	_ =	shalt  }
0x49: {  	_ =	shalt  }
0x4a: {  	_ =	shalt  }
0x4b: {  	_ =	shalt  }
0x4c: {  	_ =	shalt  }
0x4d: {  	_ =	shalt  }
0x4e: {  	_ =	shalt  }
0x4f: {  	_ =	shalt  }
0x50: {  	_ =	shalt  }
0x51: {  	_ =	shalt  }
0x52: {  	_ =	shalt  }
0x53: {  	_ =	shalt  }
0x54: {  	_ =	shalt  }
0x55: {  	_ =	shalt  }
0x56: {  	_ =	shalt  }
0x57: {  	_ =	shalt  }
0x58: {  	_ =	shalt  }
0x59: {  	_ =	shalt  }
0x5a: {  	_ =	shalt  }
0x5b: {  	_ =	shalt  }
0x5c: {  	_ =	shalt  }
0x5d: {  	_ =	shalt  }
0x5e: {  	_ =	shalt  }
0x5f: {  	_ =	shalt  }
0x60: {  	_ =	shalt  }
0x61: {  	_ =	shalt  }
0x62: {  	_ =	shalt  }
0x63: {  	_ =	shalt  }
0x64: {  	_ =	shalt  }
0x65: {  	_ =	shalt  }
0x66: {  	_ =	shalt  }
0x67: {  	_ =	shalt  }
0x68: {  	_ =	shalt  }
0x69: {  	_ =	shalt  }
0x6a: {  	_ =	shalt  }
0x6b: {  	_ =	shalt  }
0x6c: {  	_ =	shalt  }
0x6d: {  	_ =	shalt  }
0x6e: {  	_ =	shalt  }
0x6f: {  	_ =	shalt  }
0x70: {  	_ =	shalt  }
0x71: {  	_ =	shalt  }
0x72: {  	_ =	shalt  }
0x73: {  	_ =	shalt  }
0x74: {  	_ =	shalt  }
0x75: {  	_ =	shalt  }
0x76: {  	_ =	shalt  }
0x77: {  	_ =	shalt  }
0x78: {  	_ =	shalt  }
0x79: {  	_ =	shalt  }
0x7a: {  	_ =	shalt  }
0x7b: {  	_ =	shalt  }
0x7c: {  	_ =	shalt  }
0x7d: {  	_ =	shalt  }
0x7e: {  	_ =	shalt  }
0x7f: {  	_ =	shalt  }
0x80: {  	_ =	shalt  }
0x81: {  	_ =	shalt  }
0x82: {  	_ =	shalt  }
0x83: {  	_ =	shalt  }
0x84: {  	_ =	shalt  }
0x85: {  	_ =	shalt  }
0x86: {  	_ =	shalt  }
0x87: {  	_ =	shalt  }
.Lfunc_end0:
.L_simem_size_0:
called_computation.2_lowered:
.L_overlay_start_0:
0x88: {  	s2 =	sld [smem:$0x3FD9]  }
0x89: {  	s3 =	sld [smem:$0x3FFE];
	_ =	sdelay $0x1  }
0x8a: {  	s1 =	srdreg.scid  }
0x8b: {  	s0 =	sand.u32 $0x1, s1  }
0x8c: {  	s17 =	sshll.u32 s0, $0xA;
	s2 =	sadd.s32 s3, s2  }
0x8d: {  	s2 =	sadd.s32 s2, s17  }
0x8e: {  	[smem:$0x3FC5] =	sst s2  }
0x8f: {  	_ = 	snop  }
0x90: {  	s2 =	sld [smem:$0x3FD0];
	(tm) =	ssettm $0x1  }
0x91: {  	s18 =	sld [smem:$0x3FFB];
	_ =	sdelay $0x3  }
0x92: {  	_ =	strace s18  }
0x93: {  	s3 =	sld [smem:$0x3FFC];
	_ =	sdelay $0x3  }
0x94: {  	_ =	strace s3  }
0x95: {  	s3 =	sld [smem:$0x3FFD];
	_ =	sdelay $0x3  }
0x96: {  	_ =	strace s3  }
0x97: {  	_ =	strace $0x8FFFFFFF  }
0x98: {  	s19 =	sld [smem:$0x3FDB];
	_ =	sdelay $0x1  }
0x99: {  	s4 =	simm.s32 $_scs_section_size  }
0x9a: {  	s5 =	simm.s32 $_size__tile_overlayer_lowered;
	s6 =	simm.s32 $_tile_overlayer_lowered  }
0x9b: {  	s22 =	simm.s32 $0x1BFF;
	s21 =	sshll.u32 s6, $0x1;
	s3 =	sadd.s32 s4, s19  }
0x9c: {  	s7 =	simm.s32 $0x0;
	s20 =	sshll.u32 s5, $0x1;
	s5 =	sadd.s32 s21, s3  }
0x9d: {  	[timem:s7], [sflag:s22] =	dma.local [hbm:s5], s20  }
0x9e: {  	_ =	swait.ge [sflag:s22], s20  }
0x9f: {  	s4 =	ssub.s32 $0x0, s20;
	[sflag:s22] =	ssyncset.done $0x0  }
0xa0: {  	[sflag:s22] =	ssyncadd.s32 s4;
	_ =	sdelay $0x1  }
0xa1: {  	s23 =	simm.s32 $0x1B8B  }
0xa2: {  	_ =	swait.ge [sflag:s23], $0x1  }
0xa3: {  	[sflag:s23] =	ssyncset.done $0x0  }
0xa4: {  	s25 =	simm.s32 $0x1B8E;
	s24 =	sld [smem:$0x3FFE];
	[sflag:s23] =	ssyncadd.s32 $0xFFFFFFFF  }
0xa5: {  	s26 =	simm.s32 $execute0_lowered;
	[smem:$0x3FD2] =	sst s25  }
0xa6: {  	s5 =	sshll.u32 s26, $0x1;
	_ =	strace $0x80000046;
	[dreg:$0x1] =	wrdreg $0xFFFFFFFF  }
0xa7: {  	s28 =	simm.s32 $_size_execute0_lowered;
	s3 =	sadd.s32 s3, s5;
	[dreg:$0x0] =	wrdreg $0x0  }
0xa8: {  	s5 =	sshll.u32 s28, $0x1;
	[dreg:$0x2] =	wrdreg s3  }
0xa9: {  	[dreg:$0x3] =	wrdreg s5  }
0xaa: {  	[dreg:$0x4] =	wrdreg $0xC0  }
0xab: {  	_ =	task [dreg:s7], $0x5FFFF  }
0xac: {  	[dreg:$0x1] =	wrdreg $0xFFFFFFFF  }
0xad: {  	[dreg:$0x0] =	wrdreg $0x60  }
0xae: {  	[dreg:$0x2] =	wrdreg s24  }
0xaf: {  	[dreg:$0x3] =	wrdreg s2  }
0xb0: {  	[dreg:$0x4] =	wrdreg $0x9  }
0xb1: {  	_ =	task.clear_ibuf [dreg:s7], $0x5FFFF;
	_ =	strace $0x90000046  }
0xb2: {  	s29 =	simm.s32 $0x9;
	_ =	strace $0x80000048  }
0xb3: {  	_ =	swait.ge [sflag:s29], $0x1  }
0xb4: {  	[sflag:s29] =	ssyncadd.s32 $0xFFFFFFFF  }
0xb5: {  	_ =	strace $0x90000048  }
0xb6: {  	_ =	sfence  }
0xb7: {  	s30 =	sld [smem:$0x0];
	_ =	sdelay $0x2  }
0xb8: {  	s31 =	sshll.u32 s1, $0xD;
	s1 =	sshrl.u32 s1, $0x2  }
0xb9: {  	s3 =	sand.u32 $0x4000, s31;
	s1 =	sadd.s32 s1, s30  }
0xba: {  	s0 =	sor.u32 s3, s0;
	s1 =	sshll.u32 s1, $0x11  }
0xbb: {  	s0 =	sor.u32 s1, s0  }
0xbc: {  	s0 =	sadd.s32 $0x8F2B, s0  }
0xbd: {  	[sflag:s0] =	ssyncadd.remote.s32 $0x1  }
0xbe: {  	_ =	sfence.sel $0xFFFF  }
0xbf: {  	[dreg:$0x0] =	wrdreg $0xFFFFFFFF;
	(pc) =	sbr.abs _section_cstart, $3  }
0xc0: {  	[dreg:$0x1] =	wrdreg $0xFFFFFFFF  }
0xc1: {  	_ =	task.clear_ibuf [dreg:s7], $0x2FFFF;
	_ =	strace $0x9FFFFFFF  }
0xc2: {  	(tm) =	ssettm $0x7FFFFFFF  }
0xc3: {  	_ =	shalt  }
tec
execute0_lowered:
.L_overlay_start_1:
0x0: {  	(tag) =	ssettag $0x1  }
0x1: {  	s5 =	rddreg [dreg:$0x0]  }
0x2: {  	s1 =	rddreg [dreg:$0x1]  }
0x3: {  	s0 =	rddreg [dreg:$0x2];
	s3 =	simm.s32 $0x0;
	s6 =	srdreg.scid  }
0x4: {  	s2 =	stileid.u32;
	s11 =	simm.s32 $0x210;
	s12 =	simm.s32 $0x90  }
0x5: {  	s13 =	simm.s32 $0x1210;
	s14 =	simm.s32 $0x110;
	s15 =	simm.s32 $0x2210  }
0x6: {  	s16 =	simm.s32 $0x190;
	s17 =	simm.s32 $0x3210;
	s18 =	simm.s32 $0x1  }
0x7: {  	s19 =	simm.s32 $0x0;
	[smem:$0x7FF] =	sst s3;
	s4 =	sadd.s32 $0x1000, s5  }
0x8: {  	s6 =	sand.u32 $0x1, s6;
	s7 =	sshll.u32 s2, $0xC;
	s9 =	sshll.u32 s2, $0xA  }
0x9: {  	s30 =	sshrl.u32 s2, $0x2;
	_ =	strace $0x80000047;
	s8 =	sshll.u32 s6, $0xB  }
0xa: {  	s10 =	sshll.u32 s6, $0x9;
	s6 =	ssub.s32 $0x2, s6;
	s7 =	sor.u32 s8, s7  }
0xb: {  	s28 =	sor.u32 s10, s9;
	s29 =	sshrl.u32 s6, $0x1;
	s9 =	simm.s32 $0x80  }
0xc: {  	s10 =	simm.s32 $0x10;
	s8 =	sand.u32 $0xE00, s28;
	s5 =	sadd.s32 s7, s5  }
0xd: {  	s6 =	ssub.s32 s6, s29;
	s31 =	sor.u32 s8, s30;
	s5 =	sadd.s32 $0x1200, s5  }
0xe: {  	v0 =	vlaneseq.u32;
	s6 =	smax.u32 s6, $0x1;
	s8 =	simm.s32 $0x2;
	s7 =	sadd.s32 $0xFFFFF801, s31  }
.LBB2_1:
0xf: {  	[tilespmem:s3], [sflag:$0x2] =	stream.linear.gather [hbm4b:s4+s3], $0x10, $0x38;
	[tilespmem:$0x4210] =	vst v63  }
0x10: {  	_ =	swait.ge [sflag:s8], $0x10  }
0x11: {  	[sflag:s8] =	ssyncset.done $0x0  }
0x12: {  	[sflag:s8] =	ssyncadd.s32 $0xFFFFFFF0  }
0x13: {  	v1 =	vld [tilespmem:$0x0];
	_ =	sdelay $0x4  }
0x14: {  	v1 =	vadd.s32 v0, v1  }
0x15: {  	v2 =	vadd.s32 s7, v1  }
0x16: {  	vm0 =	vgt.s32 v2, $0xFFFFFE00  }
0x17: {  	v2 =	vnsel vm0, $0xFFFFFE00, v2  }
0x18: {  	vm0 =	vlt.s32 v2, $0x200  }
0x19: {  	v2 =	vnsel vm0, $0x200, v2  }
0x1a: {  	s20 =	simm.s32 $0x40;
	s22 =	simm.s32 $0x0;
	s21 =	sadd.s32 $0x10, s7;
	v2 =	vadd.s32 $0x200, v2  }
.LBB2_2:
0x1b: {  	v3 =	vadd.s32 s21, v1;
	p0 =	sne.s32 s20, $0x7C0;
	[tilespmem:s22+$0x10] =	vst v2;
	s22 =	smov.u32 s20;
	s20 =	sadd.s32 $0x40, s20  }
.Ltmp0:
0x1c: {  	vm0 =	vgt.s32 v3, $0xFFFFFE00;
	(pc) =	sbr.rel @p0 .LBB2_2-.Ltmp0, $4  }
0x1d: {  	v2 =	vnsel vm0, $0xFFFFFE00, v3  }
0x1e: {  	vm0 =	vlt.s32 v2, $0x200  }
0x1f: {  	v2 =	vnsel vm0, $0x200, v2  }
0x20: {  	s21 =	sadd.s32 $0x10, s21;
	s22 =	sshra.s32 s22, $0x2;
	v2 =	vadd.s32 $0x200, v2  }
0x21: {  	[tilespmem:s22+$0x10] =	vst v2  }
0x22: {  	[tilespmem:s11], [sflag:$0x1] =	stream.indirect.gather [hbm4b:s1+s9], $0x20, s10, s9, $0xb8;
	[tilespmem:$0x4210] =	vst v63  }
0x23: {  	_ = 	snop  }
0x24: {  	[tilespmem:s13], [sflag:$0x1] =	stream.indirect.gather [hbm4b:s1+s9], $0x20, s12, s9, $0xb8;
	[tilespmem:$0x4210] =	vst v63  }
0x25: {  	_ = 	snop  }
0x26: {  	[tilespmem:s15], [sflag:$0x1] =	stream.indirect.gather [hbm4b:s1+s9], $0x20, s14, s9, $0xb8;
	[tilespmem:$0x4210] =	vst v63  }
0x27: {  	_ = 	snop  }
0x28: {  	[tilespmem:s17], [sflag:$0x1] =	stream.indirect.gather [hbm4b:s1+s9], $0x20, s16, s9, $0xb8;
	[tilespmem:$0x4210] =	vst v63  }
0x29: {  	_ =	swait.ge [sflag:s18], $0x1000  }
0x2a: {  	[sflag:s18] =	ssyncset.done $0x0  }
0x2b: {  	[sflag:s18] =	ssyncadd.s32 $0xFFFFF000  }
0x2c: {  	_ =	swait.ge [sflag:s18], $0x1000  }
0x2d: {  	[sflag:s18] =	ssyncset.done $0x0  }
0x2e: {  	[sflag:s18] =	ssyncadd.s32 $0xFFFFF000  }
0x2f: {  	_ =	swait.ge [sflag:s18], $0x1000  }
0x30: {  	[sflag:s18] =	ssyncset.done $0x0  }
0x31: {  	[sflag:s18] =	ssyncadd.s32 $0xFFFFF000  }
0x32: {  	s19 =	sadd.s32 $0x1, s19;
	_ =	swait.ge [sflag:s18], $0x1000  }
0x33: {  	p0 =	sne.s32 s19, s6;
	[sflag:s18] =	ssyncset.done $0x0  }
.Ltmp1:
0x34: {  	[sflag:s18] =	ssyncadd.s32 $0xFFFFF000;
	(pc) =	sbr.rel @p0 .LBB2_1-.Ltmp1, $4  }
0x35: {  	[hbm4b:s5+s3] =	stream.linear.scatter [tilespmem:s11], [sflag:$0x2], $0x4000, $0x38;
	[tilespmem:$0x4210] =	vst v63  }
0x36: {  	_ =	swait.ge [sflag:s8], $0x4000  }
0x37: {  	[sflag:s8] =	ssyncset.done $0x0  }
0x38: {  	[sflag:s8] =	ssyncadd.s32 $0xFFFFC000  }
0x39: {  	_ =	sfence.sel $0x180000  }
0x3a: {  	[bflag:$0x0] =	sbarrier.arrive $0xFFFF  }
0x3b: {  	p0 =	sne.s32 s2, $0x0;
	_ =	strace $0x90000047  }
0x3c: {  	s0 =	sadd.s32 @!p0 $0x100000, s0;
	[bflag:$0x2] =	sbarrier.arrive $0xFFFF  }
0x3d: {  	[sflag:s0] =	ssyncadd.tile.s32 @!p0 $0x1;
	_ =	shalt  }
.Lfunc_end2:
_tile_overlayer_lowered:
.L_overlay_start_2:
0x3e: {  	(tag) =	ssettag $0x2  }
0x3f: {  	s0 =	rddreg [dreg:$0x0];
	s2 =	stileid.u32  }
0x40: {  	s1 =	rddreg [dreg:$0x1];
	p0 =	sne.s32 s2, $0x0  }
0x41: {  	s3 =	rddreg [dreg:$0x2];
	[bflag:$0x3] =	sbarrier.arrive $0xFFFF;
	s2 =	simm.s32 @!p0 $0x1C02  }
0x42: {  	[timem:s3], [sflag:s2] =	dma.local @!p0 [hbm:s0], s1  }
0x43: {  	s0 =	simm.s32 @!p0 $0x2  }
0x44: {  	_ =	swait.ge @!p0 [sflag:s0], s1  }
0x45: {  	s1 =	ssub.s32 @!p0 $0x0, s1;
	[sflag:s0] =	ssyncset.done @!p0 $0x0  }
0x46: {  	[sflag:s0] =	ssyncadd.s32 @!p0 s1  }
0x47: {  	[bflag:$0x3] =	sbarrier.arrive $0xFFFF  }
0x48: {  	_ =	shalt  }

// kernel: kernel.7.cloned.1.call-start
scs
__scs_entry_jumppad:
0x0: {  	(pc) =	sbr.rel $0x88, $3  }
0x1: {  	(tag) =	ssettag $0x0;
	lr =	simm.s32 $0x1  }
0x2: {  	[smem:$0x3F9E] =	sst lr;
	_ =	strace $0xD0000000  }
0x3: {  	_ = 	snop  }
0x4: {  	_ = 	snop  }
0x5: {  	_ = 	snop  }
0x6: {  	_ = 	snop  }
0x7: {  	_ = 	snop  }
__scs_overlays_trampoline_lowered:
0x8: {  	[smem:$0x3FAD] =	sst s0  }
0x9: {  	[smem:$0x3FAE] =	sst s1  }
0xa: {  	[smem:$0x3FAF] =	sst s2  }
0xb: {  	[smem:$0x3FB0] =	sst s3  }
0xc: {  	[smem:$0x3FB1] =	sst s4  }
0xd: {  	[smem:$0x3FB2] =	sst s5  }
0xe: {  	[smem:$0x3FB3] =	sst s6  }
0xf: {  	[smem:$0x3FB4] =	sst s7  }
0x10: {  	[smem:$0x3FB5] =	sst s8  }
0x11: {  	[smem:$0x3FB6] =	sst s9;
	s0 =	simm.s32 @!p0 $0x0  }
0x12: {  	s1 =	sld [smem:$0x3F9C];
	s0 =	simm.s32 @p0 $0x1  }
0x13: {  	[smem:$0x3FB7] =	sst s0;
	s0 =	simm.s32 @!p1 $0x0  }
0x14: {  	s2 =	sld [smem:$0x3F9B];
	s0 =	simm.s32 @p1 $0x1  }
0x15: {  	[smem:$0x3FB8] =	sst s0;
	s0 =	simm.s32 @!p2 $0x0  }
0x16: {  	s3 =	sld [smem:$0x3FDB];
	s0 =	simm.s32 @p2 $0x1  }
0x17: {  	s4 =	simm.s32 $0x1BF5;
	[smem:$0x3FBA] =	sst s0  }
0x18: {  	s0 =	sld [smem:$0x3F9D];
	_ =	swait.ge [sflag:s4], $0x0  }
0x19: {  	s7 =	sld [smem:$0x3F9E]  }
0x1a: {  	s8 =	sadd.s32 $0xFFFFE003, lr  }
0x1b: {  	s9 =	sadd.s32 $0xFFFFFEF7, lr;
	s5 =	simm.s32 $0xFFFFFFFF;
	p2 =	slt.u32 s8, $0xFFFFF086  }
0x1c: {  	p1 =	slt.u32 s9, $0xF7A;
	s5 =	simm.s32 @!p2 $0x0  }
0x1d: {  	s5 =	simm.s32 @p1 $0x1;
	p0 =	seq.s32 s7, s2  }
0x1e: {  	s7 =	smul.u32 @!p0 $0xF7A, s2;
	p2 =	seq.s32 @!p0 s5, $0x0  }
0x1f: {  	s9 =	smul.u32 $0xF7A, s1;
	s8 =	simm.s32 @!p0 $0x1BF5;
	p2 =	por !p2, p0  }
0x20: {  	[sflag:s8] =	ssyncset.s32 @!p0 $0xFFFFF086;
	s6 =	sadd.s32 @!p0 s3, s7;
	s7 =	simm.s32 @!p0 $0x108  }
0x21: {  	s3 =	sadd.s32 s3, s9;
	s6 =	sadd.s32 @!p0 $0x88, s6;
	s7 =	simm.s32 @p2 $0x1082  }
0x22: {  	[simem:s7], [sflag:s8] =	dma.local @!p0 [hbm:s6], $0xF7A  }
0x23: {  	s9 =	sor.u32 $0xD0000000, s2;
	s6 =	simm.s32 $0x108;
	_ =	swait.ge @!p0 [sflag:s8], $0x0  }
0x24: {  	s3 =	sadd.s32 $0x88, s3;
	s6 =	simm.s32 @!p1 $0x1082;
	[sflag:s4] =	ssyncset.s32 $0xFFFFF086  }
0x25: {  	[simem:s6], [sflag:s4] =	dma.local [hbm:s3], $0xF7A  }
0x26: {  	[smem:$0x3F9E] =	sst s1;
	(tag) =	ssettag s2;
	_ =	strace s9  }
0x27: {  	s1 =	sld [smem:$0x3FAE]  }
0x28: {  	s2 =	sld [smem:$0x3FAF]  }
0x29: {  	s4 =	sld [smem:$0x3FB1]  }
0x2a: {  	p0 =	seq.s32 s5, $0x0;
	s5 =	sld [smem:$0x3FB2]  }
0x2b: {  	s6 =	sld [smem:$0x3FB3]  }
0x2c: {  	s7 =	sld [smem:$0x3FB4]  }
0x2d: {  	s3 =	simm.s32 $0x108;
	s8 =	sld [smem:$0x3FB5]  }
0x2e: {  	s3 =	simm.s32 @!p0 $0x1082;
	s9 =	sld [smem:$0x3FB6]  }
0x2f: {  	lr =	sadd.s32 s0, s3;
	s0 =	sld [smem:$0x3FAD]  }
0x30: {  	s3 =	sld [smem:$0x3FB0]  }
0x31: {  	[smem:$0x3FB9] =	sst s10  }
0x32: {  	s10 =	sld [smem:$0x3FB7];
	_ =	sdelay $0x3  }
0x33: {  	p0 =	seq.s32 s10, $0x1;
	s10 =	sld [smem:$0x3FB9];
	_ =	sdelay $0x3  }
0x34: {  	[smem:$0x3FB9] =	sst s10  }
0x35: {  	s10 =	sld [smem:$0x3FB8];
	_ =	sdelay $0x3  }
0x36: {  	p1 =	seq.s32 s10, $0x1;
	s10 =	sld [smem:$0x3FB9];
	_ =	sdelay $0x3  }
0x37: {  	[smem:$0x3FB9] =	sst s10  }
0x38: {  	s10 =	sld [smem:$0x3FBA]  }
0x39: {  	_ = 	snop;
	(pc) =	sbr.ind lr, $3  }
0x3a: {  	_ = 	snop  }
0x3b: {  	_ = 	snop  }
0x3c: {  	p2 =	seq.s32 s10, $0x1;
	s10 =	sld [smem:$0x3FB9]  }
0x3d: {  	_ =	shalt  }
0x3e: {  	_ =	shalt  }
0x3f: {  	_ =	shalt  }
0x40: {  	_ =	shalt  }
0x41: {  	_ =	shalt  }
0x42: {  	_ =	shalt  }
0x43: {  	_ =	shalt  }
0x44: {  	_ =	shalt  }
0x45: {  	_ =	shalt  }
0x46: {  	_ =	shalt  }
0x47: {  	_ =	shalt  }
0x48: {  	_ =	shalt  }
0x49: {  	_ =	shalt  }
0x4a: {  	_ =	shalt  }
0x4b: {  	_ =	shalt  }
0x4c: {  	_ =	shalt  }
0x4d: {  	_ =	shalt  }
0x4e: {  	_ =	shalt  }
0x4f: {  	_ =	shalt  }
0x50: {  	_ =	shalt  }
0x51: {  	_ =	shalt  }
0x52: {  	_ =	shalt  }
0x53: {  	_ =	shalt  }
0x54: {  	_ =	shalt  }
0x55: {  	_ =	shalt  }
0x56: {  	_ =	shalt  }
0x57: {  	_ =	shalt  }
0x58: {  	_ =	shalt  }
0x59: {  	_ =	shalt  }
0x5a: {  	_ =	shalt  }
0x5b: {  	_ =	shalt  }
0x5c: {  	_ =	shalt  }
0x5d: {  	_ =	shalt  }
0x5e: {  	_ =	shalt  }
0x5f: {  	_ =	shalt  }
0x60: {  	_ =	shalt  }
0x61: {  	_ =	shalt  }
0x62: {  	_ =	shalt  }
0x63: {  	_ =	shalt  }
0x64: {  	_ =	shalt  }
0x65: {  	_ =	shalt  }
0x66: {  	_ =	shalt  }
0x67: {  	_ =	shalt  }
0x68: {  	_ =	shalt  }
0x69: {  	_ =	shalt  }
0x6a: {  	_ =	shalt  }
0x6b: {  	_ =	shalt  }
0x6c: {  	_ =	shalt  }
0x6d: {  	_ =	shalt  }
0x6e: {  	_ =	shalt  }
0x6f: {  	_ =	shalt  }
0x70: {  	_ =	shalt  }
0x71: {  	_ =	shalt  }
0x72: {  	_ =	shalt  }
0x73: {  	_ =	shalt  }
0x74: {  	_ =	shalt  }
0x75: {  	_ =	shalt  }
0x76: {  	_ =	shalt  }
0x77: {  	_ =	shalt  }
0x78: {  	_ =	shalt  }
0x79: {  	_ =	shalt  }
0x7a: {  	_ =	shalt  }
0x7b: {  	_ =	shalt  }
0x7c: {  	_ =	shalt  }
0x7d: {  	_ =	shalt  }
0x7e: {  	_ =	shalt  }
0x7f: {  	_ =	shalt  }
0x80: {  	_ =	shalt  }
0x81: {  	_ =	shalt  }
0x82: {  	_ =	shalt  }
0x83: {  	_ =	shalt  }
0x84: {  	_ =	shalt  }
0x85: {  	_ =	shalt  }
0x86: {  	_ =	shalt  }
0x87: {  	_ =	shalt  }
.Lfunc_end0:
.L_simem_size_0:
called_computation.3_lowered:
.L_overlay_start_0:
0x88: {  	s2 =	sld [smem:$0x3FD9]  }
0x89: {  	s3 =	sld [smem:$0x3FFE];
	_ =	sdelay $0x1  }
0x8a: {  	s1 =	srdreg.scid  }
0x8b: {  	s0 =	sand.u32 $0x1, s1  }
0x8c: {  	s17 =	sshll.u32 s0, $0xA;
	s2 =	sadd.s32 s3, s2  }
0x8d: {  	s2 =	sadd.s32 s2, s17  }
0x8e: {  	[smem:$0x3FC5] =	sst s2  }
0x8f: {  	_ = 	snop  }
0x90: {  	s2 =	sld [smem:$0x3FD0];
	(tm) =	ssettm $0x1  }
0x91: {  	s18 =	sld [smem:$0x3FFB];
	_ =	sdelay $0x3  }
0x92: {  	_ =	strace s18  }
0x93: {  	s3 =	sld [smem:$0x3FFC];
	_ =	sdelay $0x3  }
0x94: {  	_ =	strace s3  }
0x95: {  	s3 =	sld [smem:$0x3FFD];
	_ =	sdelay $0x3  }
0x96: {  	_ =	strace s3  }
0x97: {  	_ =	strace $0x8FFFFFFF  }
0x98: {  	s19 =	sld [smem:$0x3FDB];
	_ =	sdelay $0x1  }
0x99: {  	s4 =	simm.s32 $_scs_section_size  }
0x9a: {  	s5 =	simm.s32 $_size__tile_overlayer_lowered;
	s6 =	simm.s32 $_tile_overlayer_lowered  }
0x9b: {  	s22 =	simm.s32 $0x1BFF;
	s21 =	sshll.u32 s6, $0x1;
	s3 =	sadd.s32 s4, s19  }
0x9c: {  	s7 =	simm.s32 $0x0;
	s20 =	sshll.u32 s5, $0x1;
	s5 =	sadd.s32 s21, s3  }
0x9d: {  	[timem:s7], [sflag:s22] =	dma.local [hbm:s5], s20  }
0x9e: {  	_ =	swait.ge [sflag:s22], s20  }
0x9f: {  	s4 =	ssub.s32 $0x0, s20;
	[sflag:s22] =	ssyncset.done $0x0  }
0xa0: {  	[sflag:s22] =	ssyncadd.s32 s4;
	_ =	sdelay $0x1  }
0xa1: {  	s23 =	simm.s32 $0x1B8B  }
0xa2: {  	_ =	swait.ge [sflag:s23], $0x1  }
0xa3: {  	[sflag:s23] =	ssyncset.done $0x0  }
0xa4: {  	s25 =	simm.s32 $0x1B8E;
	s24 =	sld [smem:$0x3FFE];
	[sflag:s23] =	ssyncadd.s32 $0xFFFFFFFF  }
0xa5: {  	s26 =	simm.s32 $execute0_lowered;
	[smem:$0x3FD2] =	sst s25  }
0xa6: {  	s5 =	sshll.u32 s26, $0x1;
	_ =	strace $0x80000049;
	[dreg:$0x1] =	wrdreg $0xFFFFFFFF  }
0xa7: {  	s28 =	simm.s32 $_size_execute0_lowered;
	s3 =	sadd.s32 s3, s5;
	[dreg:$0x0] =	wrdreg $0x0  }
0xa8: {  	s5 =	sshll.u32 s28, $0x1;
	[dreg:$0x2] =	wrdreg s3  }
0xa9: {  	[dreg:$0x3] =	wrdreg s5  }
0xaa: {  	[dreg:$0x4] =	wrdreg $0xC0  }
0xab: {  	_ =	task [dreg:s7], $0x5FFFF  }
0xac: {  	[dreg:$0x1] =	wrdreg $0xFFFFFFFF  }
0xad: {  	[dreg:$0x0] =	wrdreg $0x60  }
0xae: {  	[dreg:$0x2] =	wrdreg s24  }
0xaf: {  	[dreg:$0x3] =	wrdreg s2  }
0xb0: {  	[dreg:$0x4] =	wrdreg $0x9  }
0xb1: {  	_ =	task.clear_ibuf [dreg:s7], $0x5FFFF;
	_ =	strace $0x90000049  }
0xb2: {  	s29 =	simm.s32 $0x9;
	_ =	strace $0x8000004B  }
0xb3: {  	_ =	swait.ge [sflag:s29], $0x1  }
0xb4: {  	[sflag:s29] =	ssyncadd.s32 $0xFFFFFFFF  }
0xb5: {  	_ =	strace $0x9000004B  }
0xb6: {  	_ =	sfence  }
0xb7: {  	s30 =	sld [smem:$0x0];
	_ =	sdelay $0x2  }
0xb8: {  	s31 =	sshll.u32 s1, $0xD;
	s1 =	sshrl.u32 s1, $0x2  }
0xb9: {  	s3 =	sand.u32 $0x4000, s31;
	s1 =	sadd.s32 s1, s30  }
0xba: {  	s0 =	sor.u32 s3, s0;
	s1 =	sshll.u32 s1, $0x11  }
0xbb: {  	s0 =	sor.u32 s1, s0  }
0xbc: {  	s0 =	sadd.s32 $0x8F2B, s0  }
0xbd: {  	[sflag:s0] =	ssyncadd.remote.s32 $0x1  }
0xbe: {  	_ =	sfence.sel $0xFFFF  }
0xbf: {  	[dreg:$0x0] =	wrdreg $0xFFFFFFFF;
	(pc) =	sbr.abs _section_cstart, $3  }
0xc0: {  	[dreg:$0x1] =	wrdreg $0xFFFFFFFF  }
0xc1: {  	_ =	task.clear_ibuf [dreg:s7], $0x2FFFF;
	_ =	strace $0x9FFFFFFF  }
0xc2: {  	(tm) =	ssettm $0x7FFFFFFF  }
0xc3: {  	_ =	shalt  }
tec
execute0_lowered:
.L_overlay_start_1:
0x0: {  	(tag) =	ssettag $0x1  }
0x1: {  	s0 =	stileid.u32;
	s5 =	rddreg [dreg:$0x0]  }
0x2: {  	s1 =	srdreg.scid;
	s6 =	rddreg [dreg:$0x1];
	s2 =	sshll.u32 s0, $0x1  }
0x3: {  	s3 =	sand.u32 $0x1, s1;
	s4 =	sshrl.u32 s0, $0x1;
	s8 =	sand.u32 $0x1, s0  }
0x4: {  	s25 =	sand.u32 $0x2, s2;
	s26 =	sshll.u32 s4, $0xD;
	s2 =	simm.s32 $0x0  }
0x5: {  	s28 =	ssub.s32 $0x2, s3;
	s4 =	sshll.u32 s4, $0x15;
	s1 =	sor.u32 s3, s25  }
0x6: {  	s8 =	sshll.u32 s8, $0xE;
	s31 =	sshll.u32 s3, $0xD;
	s1 =	sshll.u32 s1, $0x11  }
0x7: {  	[smem:$0x7FF] =	sst s2;
	s29 =	sshrl.u32 s28, $0x1;
	s1 =	sxor.u32 $0x60000, s1  }
0x8: {  	s4 =	sadd.s32 s4, s6;
	s6 =	ssub.s32 s28, s29;
	s7 =	ssub.s32 s1, s26  }
0x9: {  	s30 =	sadd.s32 s8, s4;
	s8 =	simm.s32 $0x0;
	s7 =	sadd.s32 $0xE000, s7  }
0xa: {  	s4 =	smax.u32 s6, $0x1;
	s6 =	simm.s32 $0x2;
	s7 =	sshrl.u32 s7, $0x3  }
0xb: {  	s1 =	rddreg [dreg:$0x2];
	_ =	strace $0x8000004A;
	s5 =	sadd.s32 s7, s5  }
0xc: {  	s7 =	simm.s32 $0x1;
	s3 =	sadd.s32 $0x1200, s5;
	s5 =	sadd.s32 s31, s30  }
.LBB2_1:
0xd: {  	[tilespmem:s2], [sflag:$0x2] =	stream.linear.gather [hbm4b:s3+s2], $0x12000, $0x38;
	[tilespmem:$0x12000] =	vst v63  }
0xe: {  	_ =	swait.ge [sflag:s6], $0x12000  }
0xf: {  	[sflag:s6] =	ssyncset.done $0x0  }
0x10: {  	s9 =	simm.s32 $0x7E00;
	s10 =	smov.u32 s5;
	[sflag:s6] =	ssyncadd.s32 $0xFFFEE000  }
.LBB2_2:
0x11: {  	p0 =	sne.s32 s9, $0x0  }
.Ltmp0:
0x12: {  	_ = 	snop;
	(pc) =	sbr.rel @p0 .LBB2_2-.Ltmp0, $4  }
0x13: {  	_ = 	snop  }
0x14: {  	s11 =	sshra.s32 s9, $0x2  }
0x15: {  	[hbm4b:s10+s2] =	stream.linear.scatter [tilespmem:s11], [sflag:$0x1], $0x10000, $0x38;
	[tilespmem:$0x12000] =	vst v63  }
0x16: {  	s9 =	sadd.s32 $0xFFFFFE00, s9;
	s10 =	sadd.s32 $0x8000, s10  }
0x17: {  	_ =	swait.ge [sflag:s7], $0x10000  }
0x18: {  	s9 =	simm.s32 $0x3F;
	[sflag:s7] =	ssyncset.done $0x0  }
.LBB2_4:
0x19: {  	p0 =	sne.s32 s9, $0x1;
	s9 =	sadd.s32 $0xFFFFFFFF, s9;
	[sflag:s7] =	ssyncadd.s32 $0xFFFF0000  }
.Ltmp1:
0x1a: {  	(pc) =	sbr.rel @p0 .LBB2_4-.Ltmp1, $3  }
0x1b: {  	_ =	sdelay $0x1  }
0x1c: {  	_ =	swait.ge [sflag:s7], $0x10000  }
0x1d: {  	[sflag:s7] =	ssyncset.done $0x0  }
0x1e: {  	s8 =	sadd.s32 $0x1, s8  }
0x1f: {  	p0 =	sne.s32 s8, s4  }
.Ltmp2:
0x20: {  	_ = 	snop;
	(pc) =	sbr.rel @p0 .LBB2_1-.Ltmp2, $2  }
0x21: {  	_ =	sdelay $0x2  }
0x22: {  	[sflag:s7] =	ssyncadd.s32 $0xFFFF0000  }
0x23: {  	_ =	sfence.sel $0x180000  }
0x24: {  	[bflag:$0x0] =	sbarrier.arrive $0xFFFF  }
0x25: {  	p0 =	sne.s32 s0, $0x0;
	_ =	strace $0x9000004A  }
0x26: {  	s0 =	sadd.s32 @!p0 $0x100000, s1;
	[bflag:$0x2] =	sbarrier.arrive $0xFFFF  }
0x27: {  	[sflag:s0] =	ssyncadd.tile.s32 @!p0 $0x1;
	_ =	shalt  }
.Lfunc_end2:
_tile_overlayer_lowered:
.L_overlay_start_2:
0x28: {  	(tag) =	ssettag $0x2  }
0x29: {  	s0 =	rddreg [dreg:$0x0];
	s2 =	stileid.u32  }
0x2a: {  	s1 =	rddreg [dreg:$0x1];
	p0 =	sne.s32 s2, $0x0  }
0x2b: {  	s3 =	rddreg [dreg:$0x2];
	[bflag:$0x3] =	sbarrier.arrive $0xFFFF;
	s2 =	simm.s32 @!p0 $0x1C02  }
0x2c: {  	[timem:s3], [sflag:s2] =	dma.local @!p0 [hbm:s0], s1  }
0x2d: {  	s0 =	simm.s32 @!p0 $0x2  }
0x2e: {  	_ =	swait.ge @!p0 [sflag:s0], s1  }
0x2f: {  	s1 =	ssub.s32 @!p0 $0x0, s1;
	[sflag:s0] =	ssyncset.done @!p0 $0x0  }
0x30: {  	[sflag:s0] =	ssyncadd.s32 @!p0 s1  }
0x31: {  	[bflag:$0x3] =	sbarrier.arrive $0xFFFF  }
0x32: {  	_ =	shalt  }

// kernel: sparse-core-data-format-call.1.cloned.1.call-start
scs
called_computation.1_lowered:
.L_overlay_start_0:
0x0: {  	s2 =	sld [smem:$0x3FD9]  }
0x1: {  	s3 =	sld [smem:$0x3FFE];
	_ =	sdelay $0x1  }
0x2: {  	s1 =	srdreg.scid  }
0x3: {  	s0 =	sand.u32 $0x1, s1  }
0x4: {  	s18 =	sshll.u32 s0, $0xA;
	s2 =	sadd.s32 s3, s2  }
0x5: {  	s2 =	sadd.s32 s2, s18  }
0x6: {  	[smem:$0x3FC5] =	sst s2  }
0x7: {  	_ = 	snop  }
0x8: {  	s2 =	sld [smem:$0x3FD0];
	(tm) =	ssettm $0x1  }
0x9: {  	s19 =	sld [smem:$0x3FFB];
	_ =	sdelay $0x3  }
0xa: {  	_ =	strace s19  }
0xb: {  	s3 =	sld [smem:$0x3FFC];
	_ =	sdelay $0x3  }
0xc: {  	_ =	strace s3  }
0xd: {  	s3 =	sld [smem:$0x3FFD];
	_ =	sdelay $0x3  }
0xe: {  	_ =	strace s3  }
0xf: {  	_ =	strace $0x8FFFFFFF  }
0x10: {  	s20 =	sld [smem:$0x3FDB];
	_ =	sdelay $0x1  }
0x11: {  	s4 =	simm.s32 $_scs_section_size  }
0x12: {  	s5 =	simm.s32 $_size__tile_overlayer_lowered;
	s6 =	simm.s32 $_tile_overlayer_lowered  }
0x13: {  	s23 =	simm.s32 $0x1BFF;
	s22 =	sshll.u32 s6, $0x1;
	s3 =	sadd.s32 s4, s20  }
0x14: {  	s7 =	simm.s32 $0x0;
	s21 =	sshll.u32 s5, $0x1;
	s5 =	sadd.s32 s22, s3  }
0x15: {  	[timem:s7], [sflag:s23] =	dma.local [hbm:s5], s21  }
0x16: {  	_ =	swait.ge [sflag:s23], s21  }
0x17: {  	s4 =	ssub.s32 $0x0, s21;
	[sflag:s23] =	ssyncset.done $0x0  }
0x18: {  	[sflag:s23] =	ssyncadd.s32 s4;
	_ =	sdelay $0x1  }
0x19: {  	s24 =	simm.s32 $0x1B8B  }
0x1a: {  	_ =	swait.ge [sflag:s24], $0x1  }
0x1b: {  	[sflag:s24] =	ssyncset.done $0x0  }
0x1c: {  	s26 =	simm.s32 $0x1B8E;
	s25 =	sld [smem:$0x3FFE];
	[sflag:s24] =	ssyncadd.s32 $0xFFFFFFFF  }
0x1d: {  	s27 =	simm.s32 $execute0_lowered;
	[smem:$0x3FD2] =	sst s26  }
0x1e: {  	s5 =	sshll.u32 s27, $0x1;
	_ =	strace $0x8000004C;
	[dreg:$0x1] =	wrdreg $0xFFFFFFFF  }
0x1f: {  	s28 =	simm.s32 $_size_execute0_lowered;
	s3 =	sadd.s32 s3, s5;
	[dreg:$0x0] =	wrdreg $0x0  }
0x20: {  	s5 =	sshll.u32 s28, $0x1;
	[dreg:$0x2] =	wrdreg s3  }
0x21: {  	[dreg:$0x3] =	wrdreg s5  }
0x22: {  	[dreg:$0x4] =	wrdreg $0xC0  }
0x23: {  	_ =	task [dreg:s7], $0x5FFFF  }
0x24: {  	[dreg:$0x1] =	wrdreg $0xFFFFFFFF  }
0x25: {  	[dreg:$0x0] =	wrdreg $0x60  }
0x26: {  	[dreg:$0x2] =	wrdreg s2  }
0x27: {  	[dreg:$0x3] =	wrdreg s25  }
0x28: {  	[dreg:$0x4] =	wrdreg $0x9  }
0x29: {  	_ =	task.clear_ibuf [dreg:s7], $0x5FFFF;
	_ =	strace $0x9000004C  }
0x2a: {  	s29 =	simm.s32 $0x9;
	_ =	strace $0x8000004E  }
0x2b: {  	_ =	swait.ge [sflag:s29], $0x1  }
0x2c: {  	[sflag:s29] =	ssyncadd.s32 $0xFFFFFFFF  }
0x2d: {  	_ =	strace $0x9000004E  }
0x2e: {  	_ =	sfence  }
0x2f: {  	s30 =	sld [smem:$0x0];
	_ =	sdelay $0x2  }
0x30: {  	s31 =	sshll.u32 s1, $0xD;
	s1 =	sshrl.u32 s1, $0x2  }
0x31: {  	s3 =	sand.u32 $0x4000, s31;
	s1 =	sadd.s32 s1, s30  }
0x32: {  	s0 =	sor.u32 s3, s0;
	s1 =	sshll.u32 s1, $0x11  }
0x33: {  	s0 =	sor.u32 s1, s0  }
0x34: {  	s0 =	sadd.s32 $0x8F2B, s0  }
0x35: {  	[sflag:s0] =	ssyncadd.remote.s32 $0x1  }
0x36: {  	_ =	sfence.sel $0xFFFF  }
0x37: {  	[dreg:$0x0] =	wrdreg $0xFFFFFFFF;
	(pc) =	sbr.abs _section_cstart, $3  }
0x38: {  	[dreg:$0x1] =	wrdreg $0xFFFFFFFF  }
0x39: {  	_ =	task.clear_ibuf [dreg:s7], $0x2FFFF;
	_ =	strace $0x9FFFFFFF  }
0x3a: {  	(tm) =	ssettm $0x7FFFFFFF  }
0x3b: {  	_ =	shalt  }
tec
execute0_lowered:
.L_overlay_start_1:
0x0: {  	(tag) =	ssettag $0x1  }
0x1: {  	s2 =	rddreg [dreg:$0x0]  }
0x2: {  	s0 =	stileid.u32;
	s7 =	rddreg [dreg:$0x1]  }
0x3: {  	s1 =	rddreg [dreg:$0x2];
	s4 =	srdreg.scid;
	_ =	strace $0x8000004D  }
0x4: {  	s31 =	simm.s32 $0x2;
	s13 =	simm.s32 $0x0;
	s3 =	sshll.u32 s0, $0x7  }
0x5: {  	s14 =	simm.s32 $0x0;
	s4 =	sand.u32 $0x1, s4;
	s5 =	ssub.s32 $0x800, s3  }
0x6: {  	s12 =	simm.s32 $0x0;
	s8 =	ssub.s32 $0x200, s4;
	s6 =	sand.u32 $0x780, s5  }
0x7: {  	s9 =	sshrl.u32 s5, $0xB;
	p0 =	sne.s32 s6, $0x0;
	s6 =	simm.s32 $0x1  }
.Ltmp0:
0x8: {  	s10 =	sshrl.u32 s8, $0x1;
	s6 =	simm.s32 @!p0 $0x0;
	(pc) =	sbr.rel .LBB1_1-.Ltmp0, $4  }
0x9: {  	s5 =	simm.s32 $0x1;
	s8 =	ssub.s32 s8, s10;
	s6 =	sadd.s32 s6, s9  }
0xa: {  	s7 =	sadd.s32 $0x1000, s7;
	[sflag:s5] =	ssyncpa.u1 $0x0;
	s6 =	smul.u32 s8, s6  }
0xb: {  	s11 =	smov.u32 s3;
	s10 =	smov.u32 s4;
	[sflag:s31] =	ssyncpa.u1 $0x0  }
0xc: {  	p0 =	por $0x0, $0x0;
	s9 =	simm.s32 $0x4000;
	s8 =	sadd.s32 $0x1, s6  }
.LBB1_4:
0xd: {  	v5 =	vld [tilespmem:s18+$0xFFFFFFD0];
	[tilespmem:s17+$0x2040 ss:$0x81] =	vst.msk $0xffff, v1  }
0xe: {  	v58 =	vld [tilespmem:s18+$0xFFFFFFE0];
	[tilespmem:s17+$0x2850 ss:$0x81] =	vst.msk $0xffff, v2  }
0xf: {  	s19 =	sshra.s32 s19, $0x2;
	v59 =	vld [tilespmem:s18+$0xFFFFFFF0];
	[tilespmem:s17+$0x3060 ss:$0x81] =	vst.msk $0xffff, v3  }
0x10: {  	v60 =	vld [tilespmem:s18+$0x0];
	[tilespmem:s17+$0x0 ss:$0x81] =	vst.msk $0xffff, v0;
	s16 =	sadd.s32 s19, s16  }
0x11: {  	v61 =	vld [tilespmem:s18+$0x10];
	[tilespmem:s16+$0x3870 ss:$0x81] =	vst.msk $0xffff, v4  }
0x12: {  	v62 =	vld [tilespmem:s18+$0x20];
	[tilespmem:s16+$0x810 ss:$0x81] =	vst.msk $0xffff, v5  }
0x13: {  	v63 =	vld [tilespmem:s18+$0xFFFFFFC0];
	[tilespmem:s16+$0x1020 ss:$0x81] =	vst.msk $0xffff, v58  }
0x14: {  	s28 =	sshll.u32 s14, $0x3;
	s29 =	sand.u32 $0x78, s14;
	[tilespmem:s16+$0x1830 ss:$0x81] =	vst.msk $0xffff, v59  }
0x15: {  	s30 =	sand.u32 $0x7F00, s14;
	s13 =	sshll.u32 s13, $0xF;
	s17 =	sand.u32 $0x400, s28;
	[tilespmem:s16+$0x2040 ss:$0x81] =	vst.msk $0xffff, v60  }
0x16: {  	s31 =	sand.u32 $0x7, s14;
	s18 =	sadd.s32 s7, s30;
	s17 =	sor.u32 s29, s17;
	[tilespmem:s16+$0x2850 ss:$0x81] =	vst.msk $0xffff, v61  }
0x17: {  	s14 =	sshll.u32 s31, $0x12;
	s13 =	sadd.s32 s13, s18;
	s17 =	sshrl.u32 s17, $0x3;
	[tilespmem:s16+$0x3060 ss:$0x81] =	vst.msk $0xffff, v62  }
0x18: {  	s14 =	sor.u32 $0x400, s14;
	s13 =	sadd.s32 s17, s13;
	[tilespmem:s16+$0x0 ss:$0x81] =	vst.msk $0xffff, v63  }
0x19: {  	[hbm4b:s13+s14] =	stream.strided.scatter [tilespmem:s15], [sflag:$0x2], $0x4000, s9, s14, $0x20;
	[tilespmem:$0x10100] =	vst v63  }
.LBB1_5:
0x1a: {  	s15 =	sadd.s32 $0x2, s10  }
0x1b: {  	s13 =	sadd.s32 $0x800, s11;
	s17 =	smov.u32 s11;
	p2 =	sgt.s32 s15, $0x1FF  }
0x1c: {  	s17 =	smov.u32 @p2 s13  }
0x1d: {  	s15 =	smov.u32 @p2 s4;
	p2 =	sgt.s32 s17, $0x7FF  }
0x1e: {  	s17 =	smov.u32 @p2 s3;
	p2 =	sne.s32 s12, s8  }
.Ltmp1:
0x1f: {  	p1 =	slt.u32 s12, $0x2;
	(pc) =	sbr.rel @!p2 .LBB1_6-.Ltmp1, $4  }
0x20: {  	s16 =	simm.s32 @!p1 $0x2  }
0x21: {  	s14 =	smov.u32 s11;
	p0 =	por !p0, !p0;
	_ =	swait.ge @!p1 [sflag:s16], $0x4000  }
0x22: {  	s13 =	smov.u32 s10;
	[sflag:s16] =	ssyncset.done @!p1 $0x0;
	s10 =	smov.u32 s15  }
0x23: {  	s12 =	sadd.s32 $0x1, s12;
	[sflag:s16] =	ssyncadd.s32 @!p1 $0xFFFFC000;
	s11 =	smov.u32 s17  }
.LBB1_1:
0x24: {  	p1 =	sge.u32 s12, s6  }
0x25: {  	s31 =	sadd.s32 $0xFFFFFFFF, s12;
	s15 =	sxor.u32 @!p1 $0xFFFFFFFF, s12  }
0x26: {  	s16 =	sshll.u32 @!p1 s11, $0xD;
	s17 =	sshll.u32 @!p1 s10, $0x4;
	s18 =	simm.s32 @!p1 $0x10000  }
0x27: {  	s15 =	sshll.u32 @!p1 s15, $0xE;
	s17 =	sand.u32 @!p1 $0x1FF0, s17;
	s16 =	sadd.s32 @!p1 s2, s16  }
0x28: {  	s15 =	sand.u32 @!p1 $0x4000, s15;
	s16 =	sadd.s32 @!p1 s17, s16;
	s17 =	simm.s32 @!p1 $0x80  }
0x29: {  	[tilespmem:s15], [sflag:$0x1] =	stream.strided.gather @!p1 [hbm4b:s16+s17], $0x4000, s18, s17, $0x38;
	[tilespmem:$0x10100] =	vst v63  }
0x2a: {  	p1 =	sge.u32 s31, s6  }
.Ltmp2:
0x2b: {  	_ = 	snop;
	(pc) =	sbr.rel @p1 .LBB1_5-.Ltmp2, $1  }
0x2c: {  	_ =	sdelay $0x3  }
0x2d: {  	s15 =	simm.s32 $0x1  }
0x2e: {  	_ =	swait.ge [sflag:s5], $0x4000;
	s15 =	simm.s32 @!p0 $0x0  }
0x2f: {  	[sflag:s5] =	ssyncset.done $0x0;
	s16 =	sshll.u32 s15, $0xE  }
0x30: {  	[sflag:s5] =	ssyncadd.s32 $0xFFFFC000;
	s18 =	sor.u32 $0x40, s16  }
0x31: {  	s15 =	smul.u32 $0x10200, s15;
	v0 =	vld [tilespmem:s18+$0x30]  }
0x32: {  	v3 =	vld [tilespmem:s18+$0xFFFFFFD0]  }
0x33: {  	s15 =	sshrl.u32 s15, $0x2;
	v4 =	vld [tilespmem:s18+$0xFFFFFFE0]  }
0x34: {  	v5 =	vld [tilespmem:s18+$0xFFFFFFF0];
	s16 =	sor.u32 $0x8000, s15  }
0x35: {  	s31 =	sand.u32 $0x1, s12;
	v1 =	vld [tilespmem:s18+$0x0];
	s17 =	sadd.s32 $0x0, s16  }
0x36: {  	v2 =	vld [tilespmem:s18+$0x10];
	s15 =	smul.u32 $0x10200, s31;
	[tilespmem:s17+$0x3870 ss:$0x81] =	vst.msk $0xffff, v0  }
0x37: {  	[tilespmem:s17+$0x810 ss:$0x81] =	vst.msk $0xffff, v3;
	v3 =	vld [tilespmem:s18+$0x20]  }
0x38: {  	s15 =	sshrl.u32 s15, $0x2;
	v0 =	vld [tilespmem:s18+$0xFFFFFFC0];
	[tilespmem:s17+$0x1020 ss:$0x81] =	vst.msk $0xffff, v4;
	s18 =	sadd.s32 $0x80, s18  }
0x39: {  	s19 =	simm.s32 $0x4;
	s20 =	simm.s32 $0x8;
	s15 =	sor.u32 $0x8000, s15;
	[tilespmem:s17+$0x1830 ss:$0x81] =	vst.msk $0xffff, v5;
	v4 =	vld [tilespmem:s18+$0x30]  }
.LBB1_3:
0x3a: {  	p1 =	sne.s32 s20, $0x1FC;
	v5 =	vld [tilespmem:s18+$0xFFFFFFD0];
	[tilespmem:s17+$0x2040 ss:$0x81] =	vst.msk $0xffff, v1  }
0x3b: {  	v6 =	vld [tilespmem:s18+$0xFFFFFFE0];
	[tilespmem:s17+$0x2850 ss:$0x81] =	vst.msk $0xffff, v2  }
0x3c: {  	s21 =	sshra.s32 s19, $0x2;
	s19 =	smov.u32 s20;
	v7 =	vld [tilespmem:s18+$0xFFFFFFF0];
	[tilespmem:s17+$0x3060 ss:$0x81] =	vst.msk $0xffff, v3  }
.Ltmp3:
0x3d: {  	v1 =	vld [tilespmem:s18+$0x0];
	[tilespmem:s17+$0x0 ss:$0x81] =	vst.msk $0xffff, v0;
	s17 =	sadd.s32 s21, s16;
	(pc) =	sbr.rel @p1 .LBB1_3-.Ltmp3, $4  }
0x3e: {  	v2 =	vld [tilespmem:s18+$0x10];
	[tilespmem:s17+$0x3870 ss:$0x81] =	vst.msk $0xffff, v4  }
0x3f: {  	[tilespmem:s17+$0x810 ss:$0x81] =	vst.msk $0xffff, v5;
	v3 =	vld [tilespmem:s18+$0x20]  }
0x40: {  	v0 =	vld [tilespmem:s18+$0xFFFFFFC0];
	[tilespmem:s17+$0x1020 ss:$0x81] =	vst.msk $0xffff, v6;
	s18 =	sadd.s32 $0x80, s18  }
0x41: {  	s20 =	sadd.s32 $0x4, s20;
	v4 =	vld [tilespmem:s18+$0x30];
	[tilespmem:s17+$0x1830 ss:$0x81] =	vst.msk $0xffff, v7  }
.Ltmp4:
0x42: {  	_ = 	snop;
	(pc) =	sbr.rel .LBB1_4-.Ltmp4, $1  }
0x43: {  	_ =	sdelay $0x3  }
.LBB1_6:
0x44: {  	_ =	sfence.sel $0x180000  }
0x45: {  	s2 =	simm.s32 $0x1;
	[bflag:$0x0] =	sbarrier.arrive $0xFFFF  }
0x46: {  	s31 =	simm.s32 $0x2;
	[sflag:s2] =	ssyncpa.u1 $0x1  }
0x47: {  	[sflag:s31] =	ssyncpa.u1 $0x1  }
0x48: {  	p0 =	sne.s32 s0, $0x0;
	_ =	strace $0x9000004D  }
0x49: {  	s0 =	sadd.s32 @!p0 $0x100000, s1;
	[bflag:$0x2] =	sbarrier.arrive $0xFFFF  }
0x4a: {  	[sflag:s0] =	ssyncadd.tile.s32 @!p0 $0x1;
	_ =	shalt  }
.Lfunc_end1:
_tile_overlayer_lowered:
.L_overlay_start_2:
0x4b: {  	(tag) =	ssettag $0x2  }
0x4c: {  	s0 =	rddreg [dreg:$0x0];
	s2 =	stileid.u32  }
0x4d: {  	s1 =	rddreg [dreg:$0x1];
	p0 =	sne.s32 s2, $0x0  }
0x4e: {  	s3 =	rddreg [dreg:$0x2];
	[bflag:$0x3] =	sbarrier.arrive $0xFFFF;
	s2 =	simm.s32 @!p0 $0x1C01  }
0x4f: {  	[timem:s3], [sflag:s2] =	dma.local @!p0 [hbm:s0], s1  }
0x50: {  	s0 =	simm.s32 @!p0 $0x1  }
0x51: {  	_ =	swait.ge @!p0 [sflag:s0], s1  }
0x52: {  	s1 =	ssub.s32 @!p0 $0x0, s1;
	[sflag:s0] =	ssyncset.done @!p0 $0x0  }
0x53: {  	[sflag:s0] =	ssyncadd.s32 @!p0 s1  }
0x54: {  	[bflag:$0x3] =	sbarrier.arrive $0xFFFF  }
0x55: {  	_ =	shalt  }

// kernel: sparse-core-data-format-call.cloned.1.call-start
scs
called_computation_lowered:
.L_overlay_start_0:
0x0: {  	s2 =	sld [smem:$0x3FD9]  }
0x1: {  	s3 =	sld [smem:$0x3FFE];
	_ =	sdelay $0x1  }
0x2: {  	s1 =	srdreg.scid  }
0x3: {  	s0 =	sand.u32 $0x1, s1  }
0x4: {  	s18 =	sshll.u32 s0, $0xA;
	s2 =	sadd.s32 s3, s2  }
0x5: {  	s2 =	sadd.s32 s2, s18  }
0x6: {  	[smem:$0x3FC5] =	sst s2  }
0x7: {  	_ = 	snop  }
0x8: {  	s2 =	sld [smem:$0x3FD0];
	(tm) =	ssettm $0x1  }
0x9: {  	s19 =	sld [smem:$0x3FFB];
	_ =	sdelay $0x3  }
0xa: {  	_ =	strace s19  }
0xb: {  	s3 =	sld [smem:$0x3FFC];
	_ =	sdelay $0x3  }
0xc: {  	_ =	strace s3  }
0xd: {  	s3 =	sld [smem:$0x3FFD];
	_ =	sdelay $0x3  }
0xe: {  	_ =	strace s3  }
0xf: {  	_ =	strace $0x8FFFFFFF  }
0x10: {  	s20 =	sld [smem:$0x3FDB];
	_ =	sdelay $0x1  }
0x11: {  	s4 =	simm.s32 $_scs_section_size  }
0x12: {  	s5 =	simm.s32 $_size__tile_overlayer_lowered;
	s6 =	simm.s32 $_tile_overlayer_lowered  }
0x13: {  	s23 =	simm.s32 $0x1BFF;
	s22 =	sshll.u32 s6, $0x1;
	s3 =	sadd.s32 s4, s20  }
0x14: {  	s7 =	simm.s32 $0x0;
	s21 =	sshll.u32 s5, $0x1;
	s5 =	sadd.s32 s22, s3  }
0x15: {  	[timem:s7], [sflag:s23] =	dma.local [hbm:s5], s21  }
0x16: {  	_ =	swait.ge [sflag:s23], s21  }
0x17: {  	s4 =	ssub.s32 $0x0, s21;
	[sflag:s23] =	ssyncset.done $0x0  }
0x18: {  	[sflag:s23] =	ssyncadd.s32 s4;
	_ =	sdelay $0x1  }
0x19: {  	s24 =	simm.s32 $0x1B8B  }
0x1a: {  	_ =	swait.ge [sflag:s24], $0x1  }
0x1b: {  	[sflag:s24] =	ssyncset.done $0x0  }
0x1c: {  	s26 =	simm.s32 $0x1B8E;
	s25 =	sld [smem:$0x3FFE];
	[sflag:s24] =	ssyncadd.s32 $0xFFFFFFFF  }
0x1d: {  	s27 =	simm.s32 $execute0_lowered;
	[smem:$0x3FD2] =	sst s26  }
0x1e: {  	s5 =	sshll.u32 s27, $0x1;
	_ =	strace $0x8000004F;
	[dreg:$0x1] =	wrdreg $0xFFFFFFFF  }
0x1f: {  	s28 =	simm.s32 $_size_execute0_lowered;
	s3 =	sadd.s32 s3, s5;
	[dreg:$0x0] =	wrdreg $0x0  }
0x20: {  	s5 =	sshll.u32 s28, $0x1;
	[dreg:$0x2] =	wrdreg s3  }
0x21: {  	[dreg:$0x3] =	wrdreg s5  }
0x22: {  	[dreg:$0x4] =	wrdreg $0xC0  }
0x23: {  	_ =	task [dreg:s7], $0x5FFFF  }
0x24: {  	[dreg:$0x1] =	wrdreg $0xFFFFFFFF  }
0x25: {  	[dreg:$0x0] =	wrdreg $0x60  }
0x26: {  	[dreg:$0x2] =	wrdreg s25  }
0x27: {  	[dreg:$0x3] =	wrdreg s2  }
0x28: {  	[dreg:$0x4] =	wrdreg $0x9  }
0x29: {  	_ =	task.clear_ibuf [dreg:s7], $0x5FFFF;
	_ =	strace $0x9000004F  }
0x2a: {  	s29 =	simm.s32 $0x9;
	_ =	strace $0x80000051  }
0x2b: {  	_ =	swait.ge [sflag:s29], $0x1  }
0x2c: {  	[sflag:s29] =	ssyncadd.s32 $0xFFFFFFFF  }
0x2d: {  	_ =	strace $0x90000051  }
0x2e: {  	_ =	sfence  }
0x2f: {  	s30 =	sld [smem:$0x0];
	_ =	sdelay $0x2  }
0x30: {  	s31 =	sshll.u32 s1, $0xD;
	s1 =	sshrl.u32 s1, $0x2  }
0x31: {  	s3 =	sand.u32 $0x4000, s31;
	s1 =	sadd.s32 s1, s30  }
0x32: {  	s0 =	sor.u32 s3, s0;
	s1 =	sshll.u32 s1, $0x11  }
0x33: {  	s0 =	sor.u32 s1, s0  }
0x34: {  	s0 =	sadd.s32 $0x8F2B, s0  }
0x35: {  	[sflag:s0] =	ssyncadd.remote.s32 $0x1  }
0x36: {  	_ =	sfence.sel $0xFFFF  }
0x37: {  	[dreg:$0x0] =	wrdreg $0xFFFFFFFF;
	(pc) =	sbr.abs _section_cstart, $3  }
0x38: {  	[dreg:$0x1] =	wrdreg $0xFFFFFFFF  }
0x39: {  	_ =	task.clear_ibuf [dreg:s7], $0x2FFFF;
	_ =	strace $0x9FFFFFFF  }
0x3a: {  	(tm) =	ssettm $0x7FFFFFFF  }
0x3b: {  	_ =	shalt  }
tec
execute0_lowered:
.L_overlay_start_1:
0x0: {  	(tag) =	ssettag $0x1  }
0x1: {  	s0 =	stileid.u32  }
0x2: {  	s2 =	srdreg.scid;
	s5 =	rddreg [dreg:$0x0]  }
0x3: {  	s6 =	simm.s32 $0x1;
	s31 =	simm.s32 $0x2;
	s14 =	simm.s32 $0x0  }
0x4: {  	s9 =	simm.s32 $0x10000;
	s16 =	simm.s32 $0x0;
	s1 =	sshll.u32 s0, $0x7  }
0x5: {  	s15 =	simm.s32 $0x0;
	s10 =	simm.s32 $0x0;
	s3 =	ssub.s32 $0x800, s1  }
0x6: {  	s13 =	simm.s32 $0x0;
	s2 =	sand.u32 $0x1, s2;
	s4 =	sand.u32 $0x780, s3  }
0x7: {  	s5 =	sadd.s32 $0x1000, s5;
	s7 =	ssub.s32 $0x20, s2;
	p0 =	sne.s32 s4, $0x0  }
0x8: {  	s3 =	sshrl.u32 s3, $0xB;
	s8 =	sshrl.u32 s7, $0x1;
	s6 =	simm.s32 @!p0 $0x0  }
.Ltmp0:
0x9: {  	s7 =	ssub.s32 s7, s8;
	s6 =	sadd.s32 s6, s3;
	(pc) =	sbr.rel .LBB1_1-.Ltmp0, $4  }
0xa: {  	s11 =	smov.u32 s2;
	s4 =	rddreg [dreg:$0x1];
	s7 =	smul.u32 s6, s7  }
0xb: {  	s3 =	rddreg [dreg:$0x2];
	_ =	strace $0x80000050;
	s6 =	simm.s32 $0x1  }
0xc: {  	s12 =	smov.u32 s1;
	[sflag:s6] =	ssyncpa.u1 $0x0;
	s7 =	sshll.u32 s7, $0x4  }
0xd: {  	p0 =	por $0x0, $0x0;
	[sflag:s31] =	ssyncpa.u1 $0x0;
	s8 =	sor.u32 $0x1, s7  }
.LBB1_4:
0xe: {  	v5 =	vld [tilespmem:s19+$0xFFFFFFD0];
	[tilespmem:s20+$0x2040 ss:$0x81] =	vst.msk $0xffff, v1  }
0xf: {  	v58 =	vld [tilespmem:s19+$0xFFFFFFE0];
	[tilespmem:s20+$0x2850 ss:$0x81] =	vst.msk $0xffff, v2  }
0x10: {  	s21 =	sshra.s32 s21, $0x2;
	v59 =	vld [tilespmem:s19+$0xFFFFFFF0];
	[tilespmem:s20+$0x3060 ss:$0x81] =	vst.msk $0xffff, v3  }
0x11: {  	v60 =	vld [tilespmem:s19+$0x0];
	[tilespmem:s20+$0x0 ss:$0x81] =	vst.msk $0xffff, v0;
	s18 =	sadd.s32 s21, s18  }
0x12: {  	v61 =	vld [tilespmem:s19+$0x10];
	s26 =	sshll.u32 s16, $0xB;
	[tilespmem:s18+$0x3870 ss:$0x81] =	vst.msk $0xffff, v4  }
0x13: {  	v62 =	vld [tilespmem:s19+$0x20];
	s27 =	sand.u32 $0x78, s15;
	s22 =	sshll.u32 s15, $0x3;
	s29 =	sshll.u32 s16, $0x7;
	[tilespmem:s18+$0x810 ss:$0x81] =	vst.msk $0xffff, v5  }
0x14: {  	v63 =	vld [tilespmem:s19+$0xFFFFFFC0];
	s14 =	sshll.u32 s14, $0xD;
	s20 =	sand.u32 $0xC000, s26;
	s28 =	sand.u32 $0xFC00, s22;
	[tilespmem:s18+$0x1020 ss:$0x81] =	vst.msk $0xffff, v58  }
0x15: {  	s31 =	sand.u32 $0x7, s15;
	s22 =	sand.u32 $0x400, s22;
	s19 =	sadd.s32 s28, s20;
	[tilespmem:s18+$0x1830 ss:$0x81] =	vst.msk $0xffff, v59  }
0x16: {  	s16 =	sand.u32 $0x380, s29;
	s30 =	sor.u32 s27, s22;
	s19 =	sshrl.u32 s19, $0x3;
	[tilespmem:s18+$0x2040 ss:$0x81] =	vst.msk $0xffff, v60  }
0x17: {  	s14 =	sadd.s32 s4, s14;
	s16 =	sor.u32 s16, s30;
	s19 =	sand.u32 $0x1F00, s19;
	[tilespmem:s18+$0x2850 ss:$0x81] =	vst.msk $0xffff, v61  }
0x18: {  	s15 =	sshll.u32 s31, $0x12;
	s16 =	sshrl.u32 s16, $0x3;
	[tilespmem:s18+$0x3060 ss:$0x81] =	vst.msk $0xffff, v62;
	s14 =	sadd.s32 s19, s14  }
0x19: {  	s15 =	sor.u32 $0x80, s15;
	[tilespmem:s18+$0x0 ss:$0x81] =	vst.msk $0xffff, v63;
	s14 =	sadd.s32 s16, s14  }
0x1a: {  	[hbm4b:s14+s15] =	stream.strided.scatter [tilespmem:s17], [sflag:$0x2], $0x4000, s9, s15, $0x20;
	[tilespmem:$0x10100] =	vst v63  }
.LBB1_5:
0x1b: {  	s17 =	sadd.s32 $0x80, s10  }
0x1c: {  	s14 =	sadd.s32 $0x2, s11;
	s18 =	smov.u32 s11;
	p2 =	sgt.s32 s17, $0x7FF  }
0x1d: {  	s18 =	smov.u32 @p2 s14  }
0x1e: {  	s20 =	smov.u32 s12;
	s14 =	sadd.s32 $0x800, s12;
	p3 =	sgt.s32 s18, $0x1F  }
0x1f: {  	s20 =	smov.u32 @p3 s14  }
0x20: {  	s17 =	simm.s32 @p2 $0x0;
	p2 =	sgt.s32 s20, $0x7FF  }
0x21: {  	p1 =	slt.u32 s13, $0x2;
	s20 =	smov.u32 @p2 s1;
	p2 =	sne.s32 s13, s8  }
.Ltmp1:
0x22: {  	s19 =	simm.s32 @!p1 $0x2;
	(pc) =	sbr.rel @!p2 .LBB1_6-.Ltmp1, $4  }
0x23: {  	s16 =	smov.u32 s11;
	s15 =	smov.u32 s12;
	_ =	swait.ge @!p1 [sflag:s19], $0x4000  }
0x24: {  	p0 =	por !p0, !p0;
	[sflag:s19] =	ssyncset.done @!p1 $0x0;
	s18 =	smov.u32 @p3 s2  }
0x25: {  	s14 =	smov.u32 s10;
	[sflag:s19] =	ssyncadd.s32 @!p1 $0xFFFFC000;
	s10 =	smov.u32 s17  }
0x26: {  	s11 =	smov.u32 s18;
	s13 =	sadd.s32 $0x1, s13;
	s12 =	smov.u32 s20  }
.LBB1_1:
0x27: {  	p1 =	sge.u32 s13, s7;
	s31 =	sadd.s32 $0xFFFFFFFF, s13  }
0x28: {  	s17 =	sxor.u32 @!p1 $0xFFFFFFFF, s13;
	s18 =	sand.u32 @!p1 $0x78, s10;
	s19 =	sshll.u32 @!p1 s11, $0xB  }
0x29: {  	s20 =	sshll.u32 @!p1 s11, $0x7;
	s21 =	sshll.u32 @!p1 s10, $0x3;
	s17 =	sshll.u32 @!p1 s17, $0xE  }
0x2a: {  	s19 =	sand.u32 @!p1 $0xC000, s19;
	s20 =	sand.u32 @!p1 $0x380, s20;
	s17 =	sand.u32 @!p1 $0x4000, s17  }
0x2b: {  	s19 =	sadd.s32 @!p1 s19, s21;
	s21 =	sand.u32 @!p1 $0x400, s21;
	s18 =	sor.u32 @!p1 s20, s18  }
0x2c: {  	s20 =	sshll.u32 @!p1 s12, $0xD;
	s18 =	sor.u32 @!p1 s21, s18;
	s19 =	sshrl.u32 @!p1 s19, $0x3  }
0x2d: {  	s20 =	sadd.s32 @!p1 s5, s20;
	s21 =	sand.u32 @!p1 $0x7, s10;
	s19 =	sand.u32 @!p1 $0x1F00, s19  }
0x2e: {  	s18 =	sshrl.u32 @!p1 s18, $0x3;
	s19 =	sadd.s32 @!p1 s19, s20;
	s20 =	sshll.u32 @!p1 s21, $0x12  }
0x2f: {  	s18 =	sadd.s32 @!p1 s18, s19;
	s19 =	sor.u32 @!p1 $0x80, s20;
	s20 =	simm.s32 @!p1 $0x10000  }
0x30: {  	[tilespmem:s17], [sflag:$0x1] =	stream.strided.gather @!p1 [hbm4b:s18+s19], $0x4000, s20, s19, $0x38;
	[tilespmem:$0x10100] =	vst v63  }
0x31: {  	p1 =	sge.u32 s31, s7  }
.Ltmp2:
0x32: {  	_ = 	snop;
	(pc) =	sbr.rel @p1 .LBB1_5-.Ltmp2, $1  }
0x33: {  	_ =	sdelay $0x3  }
0x34: {  	s17 =	simm.s32 $0x1  }
0x35: {  	_ =	swait.ge [sflag:s6], $0x4000;
	s17 =	simm.s32 @!p0 $0x0  }
0x36: {  	[sflag:s6] =	ssyncset.done $0x0;
	s18 =	sshll.u32 s17, $0xE  }
0x37: {  	[sflag:s6] =	ssyncadd.s32 $0xFFFFC000;
	s19 =	sor.u32 $0x40, s18  }
0x38: {  	s17 =	smul.u32 $0x10200, s17;
	v0 =	vld [tilespmem:s19+$0x30]  }
0x39: {  	v3 =	vld [tilespmem:s19+$0xFFFFFFD0]  }
0x3a: {  	s17 =	sshrl.u32 s17, $0x2;
	v4 =	vld [tilespmem:s19+$0xFFFFFFE0]  }
0x3b: {  	v5 =	vld [tilespmem:s19+$0xFFFFFFF0];
	s18 =	sor.u32 $0x8000, s17  }
0x3c: {  	s31 =	sand.u32 $0x1, s13;
	v1 =	vld [tilespmem:s19+$0x0];
	s20 =	sadd.s32 $0x0, s18  }
0x3d: {  	v2 =	vld [tilespmem:s19+$0x10];
	s17 =	smul.u32 $0x10200, s31;
	[tilespmem:s20+$0x3870 ss:$0x81] =	vst.msk $0xffff, v0  }
0x3e: {  	[tilespmem:s20+$0x810 ss:$0x81] =	vst.msk $0xffff, v3;
	v3 =	vld [tilespmem:s19+$0x20]  }
0x3f: {  	s17 =	sshrl.u32 s17, $0x2;
	v0 =	vld [tilespmem:s19+$0xFFFFFFC0];
	[tilespmem:s20+$0x1020 ss:$0x81] =	vst.msk $0xffff, v4;
	s19 =	sadd.s32 $0x80, s19  }
0x40: {  	s21 =	simm.s32 $0x4;
	s22 =	simm.s32 $0x8;
	s17 =	sor.u32 $0x8000, s17;
	[tilespmem:s20+$0x1830 ss:$0x81] =	vst.msk $0xffff, v5;
	v4 =	vld [tilespmem:s19+$0x30]  }
.LBB1_3:
0x41: {  	p1 =	sne.s32 s22, $0x1FC;
	v5 =	vld [tilespmem:s19+$0xFFFFFFD0];
	[tilespmem:s20+$0x2040 ss:$0x81] =	vst.msk $0xffff, v1  }
0x42: {  	v6 =	vld [tilespmem:s19+$0xFFFFFFE0];
	[tilespmem:s20+$0x2850 ss:$0x81] =	vst.msk $0xffff, v2  }
0x43: {  	s23 =	sshra.s32 s21, $0x2;
	s21 =	smov.u32 s22;
	v7 =	vld [tilespmem:s19+$0xFFFFFFF0];
	[tilespmem:s20+$0x3060 ss:$0x81] =	vst.msk $0xffff, v3  }
.Ltmp3:
0x44: {  	v1 =	vld [tilespmem:s19+$0x0];
	[tilespmem:s20+$0x0 ss:$0x81] =	vst.msk $0xffff, v0;
	s20 =	sadd.s32 s23, s18;
	(pc) =	sbr.rel @p1 .LBB1_3-.Ltmp3, $4  }
0x45: {  	v2 =	vld [tilespmem:s19+$0x10];
	[tilespmem:s20+$0x3870 ss:$0x81] =	vst.msk $0xffff, v4  }
0x46: {  	[tilespmem:s20+$0x810 ss:$0x81] =	vst.msk $0xffff, v5;
	v3 =	vld [tilespmem:s19+$0x20]  }
0x47: {  	v0 =	vld [tilespmem:s19+$0xFFFFFFC0];
	[tilespmem:s20+$0x1020 ss:$0x81] =	vst.msk $0xffff, v6;
	s19 =	sadd.s32 $0x80, s19  }
0x48: {  	s22 =	sadd.s32 $0x4, s22;
	v4 =	vld [tilespmem:s19+$0x30];
	[tilespmem:s20+$0x1830 ss:$0x81] =	vst.msk $0xffff, v7  }
.Ltmp4:
0x49: {  	_ = 	snop;
	(pc) =	sbr.rel .LBB1_4-.Ltmp4, $1  }
0x4a: {  	_ =	sdelay $0x3  }
.LBB1_6:
0x4b: {  	_ =	sfence.sel $0x180000  }
0x4c: {  	s1 =	simm.s32 $0x1;
	[bflag:$0x0] =	sbarrier.arrive $0xFFFF  }
0x4d: {  	s31 =	simm.s32 $0x2;
	[sflag:s1] =	ssyncpa.u1 $0x1  }
0x4e: {  	[sflag:s31] =	ssyncpa.u1 $0x1  }
0x4f: {  	p0 =	sne.s32 s0, $0x0;
	_ =	strace $0x90000050  }
0x50: {  	s0 =	sadd.s32 @!p0 $0x100000, s3;
	[bflag:$0x2] =	sbarrier.arrive $0xFFFF  }
0x51: {  	[sflag:s0] =	ssyncadd.tile.s32 @!p0 $0x1;
	_ =	shalt  }
.Lfunc_end1:
_tile_overlayer_lowered:
.L_overlay_start_2:
0x52: {  	(tag) =	ssettag $0x2  }
0x53: {  	s0 =	rddreg [dreg:$0x0];
	s2 =	stileid.u32  }
0x54: {  	s1 =	rddreg [dreg:$0x1];
	p0 =	sne.s32 s2, $0x0  }
0x55: {  	s3 =	rddreg [dreg:$0x2];
	[bflag:$0x3] =	sbarrier.arrive $0xFFFF;
	s2 =	simm.s32 @!p0 $0x1C01  }
0x56: {  	[timem:s3], [sflag:s2] =	dma.local @!p0 [hbm:s0], s1  }
0x57: {  	s0 =	simm.s32 @!p0 $0x1  }
0x58: {  	_ =	swait.ge @!p0 [sflag:s0], s1  }
0x59: {  	s1 =	ssub.s32 @!p0 $0x0, s1;
	[sflag:s0] =	ssyncset.done @!p0 $0x0  }
0x5a: {  	[sflag:s0] =	ssyncadd.s32 @!p0 s1  }
0x5b: {  	[bflag:$0x3] =	sbarrier.arrive $0xFFFF  }
0x5c: {  	_ =	shalt  }

</sc_bundles>
